<compile_context>
chip_gen: v7x
topology: tpu7x:2x2x1
jax: 0.10.2.dev20260603
libtpu: 0.0.44.dev20260713+nightly
codegen_flags: <defaults>
</compile_context>

<pallas_src>
import jax
import jax.numpy as jnp
from jax import lax
from jax.experimental import pallas as pl
from jax.experimental.pallas import tpu as pltpu
from jax.experimental.pallas import tpu_sc as plsc

L = 16
NB = 8
NPB = 256.0
_EPS = 1e-8
_ROOT5_BIAS = 851980000.0

_f32 = jnp.float32
_i32 = jnp.int32


def _lane():
    return lax.iota(_i32, L)


def _splat(s):
    return s * jnp.ones((L,), _f32)


def _isplat(s):
    return s * jnp.ones((L,), _i32)


def _pow5(x):
    x2 = x * x
    return x2 * x2 * x


def _pow255(x):
    x2 = x * x
    x4 = x2 * x2
    x8 = x4 * x4
    x16 = x8 * x8
    x32 = x16 * x16
    x64 = x32 * x32
    x128 = x64 * x64
    return ((x * x2) * (x4 * x8)) * ((x16 * x32) * (x64 * x128))


def _fifth_root(x):
    bits = lax.bitcast_convert_type(x, _i32)
    fb = bits.astype(_f32)
    y = lax.bitcast_convert_type((fb * 0.2 + _ROOT5_BIAS).astype(_i32), _f32)
    for _ in range(3):
        y4 = (y * y) * (y * y)
        y = 0.8 * y + 0.2 * (x / y4)
    return y


def _sc_body(in_hbm, out_hbm,
             m_in, m_a, m_nf, m_r, m_pr, m_tmp, m_u, m_stage,
             m_big, m_out, sh_pad, sh_part):
    tid = lax.axis_index("s")
    on_tile0 = tid == 0
    lane = _lane()
    col = jnp.bitwise_and(lane, 7)

    def _shift_r(vec, d, fill):
        m_tmp[...] = vec
        g = plsc.load_gather(m_tmp, [jnp.maximum(lane - d, 0)])
        return jnp.where(lane >= d, g, fill)

    def _prefix_prod(vec):
        w = vec
        for d in (1, 2, 4):
            w = w * _shift_r(w, d, 1.0)
        return w

    pltpu.sync_copy(in_hbm, m_in)

    av = plsc.load_gather(m_in, [col])
    a = 1.0 / (1.0 + jnp.exp(-av))
    m_a[...] = a
    nf = plsc.load_gather(m_in, [col + 8])
    nf = jnp.where(lane < NB, nf, 0.0)
    m_nf[...] = nf
    t = 1.0 - a
    t255 = _pow255(t)
    t256 = t255 * t

    sum_p = jnp.zeros((L,), _f32)
    sum_diag = jnp.zeros((L,), _f32)
    for b in range(4):
        m = b * L + lane
        bi = lax.shift_right_logical(m, 3)
        bj = jnp.bitwise_and(m, 7)
        pv = m_in[pl.ds(16 + b * L, L)]
        ai = plsc.load_gather(m_a, [bi])
        aj = plsc.load_gather(m_a, [bj])
        q = ai * aj
        omp = 1.0 - pv
        r = jnp.clip((1.0 - _fifth_root(omp)) / (q + _EPS), 0.0, 1.0)
        prem = jnp.clip(1.0 - omp / (_pow5(1.0 - q) + _EPS), 0.0, 1.0)
        m_r[pl.ds(b * L, L)] = r
        m_pr[pl.ds(b * L, L)] = prem
        sum_p = sum_p + _splat(jnp.sum(pv))
        sum_diag = sum_diag + _splat(jnp.sum(jnp.where(bi == bj, pv, 0.0)))
    e_m = 0.5 * (NPB * NPB * sum_p - NPB * sum_diag)

    rt = jnp.minimum(tid, NB - 1)
    rvec = _isplat(rt)
    ridx = rt * NB + col
    v = plsc.load_gather(m_r, [ridx])
    v = jnp.where(lane < NB, v, -1.0)
    f = jnp.where(lane == rvec, t255, t256)
    f = jnp.where(lane < NB, f, 1.0)
    sk, sv = plsc.sort_key_val(v, f, descending=True)
    w = _prefix_prod(sv)
    excl = _shift_r(w, 1, 1.0)
    terms = jnp.where(lane < NB, sk * (excl - w), 0.0)
    ai = plsc.load_gather(m_a, [rvec])
    pc = ai * _splat(jnp.sum(terms))
    pi = _pow5(1.0 - pc)
    u = 1.0 - plsc.load_gather(m_pr, [ridx])
    u = jnp.where(lane < NB, u, 1.0)
    m_u[...] = u
    u_excl = jnp.where(lane == rvec, 1.0, u)
    wp = _prefix_prod(u_excl)
    m_tmp[...] = wp
    prod = plsc.load_gather(m_tmp, [jnp.full((L,), NB - 1, _i32)])
    for _sq in range(8):
        prod = prod * prod
    ui = plsc.load_gather(m_u, [rvec])
    iso = pi * (prod * _pow255(ui))

    def tri_chunk(tc):
        m = tc * L + lane
        ti = lax.shift_right_logical(m, 6)
        tj = jnp.bitwise_and(lax.shift_right_logical(m, 3), 7)
        tk = jnp.bitwise_and(m, 7)
        x0 = plsc.load_gather(m_r, [ti * NB + tj])
        x1 = plsc.load_gather(m_r, [ti * NB + tk])
        x2 = plsc.load_gather(m_r, [tj * NB + tk])
        pr0 = plsc.load_gather(m_pr, [ti * NB + tj])
        pr1 = plsc.load_gather(m_pr, [ti * NB + tk])
        pr2 = plsc.load_gather(m_pr, [tj * NB + tk])
        a0 = plsc.load_gather(m_a, [tk])
        a1 = plsc.load_gather(m_a, [tj])
        a2 = plsc.load_gather(m_a, [ti])
        wn = (plsc.load_gather(m_nf, [ti]) * plsc.load_gather(m_nf, [tj])
              * plsc.load_gather(m_nf, [tk]))
        pos0 = (x1 < x0).astype(_i32) + (x2 < x0).astype(_i32)
        pos1 = (x0 <= x1).astype(_i32) + (x2 < x1).astype(_i32)
        pos2 = (x0 <= x2).astype(_i32) + (x1 <= x2).astype(_i32)

        def sel(p, c0, c1, c2):
            return jnp.where(pos0 == p, c0, jnp.where(pos1 == p, c1, c2))

        r_min, r_mid, r_max = sel(0, x0, x1, x2), sel(1, x0, x1, x2), sel(2, x0, x1, x2)
        pr_min, pr_mid, pr_max = sel(0, pr0, pr1, pr2), sel(1, pr0, pr1, pr2), sel(2, pr0, pr1, pr2)
        al_min, al_mid, al_max = sel(0, a0, a1, a2), sel(1, a0, a1, a2), sel(2, a0, a1, a2)

        pg_3 = al_max * al_mid * al_min
        pg_2_max = (1.0 - al_max) * al_mid * al_min
        pg_2_mid = al_max * (1.0 - al_mid) * al_min
        pg_2_min = al_max * al_mid * (1.0 - al_min)
        p_r3 = pg_3 * r_min
        p_r2 = pg_3 * (r_mid - r_min)
        p_r1_max = pg_3 * (r_max - r_mid) + pg_2_max * r_max
        p_r1_mid = pg_2_mid * r_mid
        p_r1_min = pg_2_min * r_min
        p_r0 = 1.0 - p_r3 - p_r2 - p_r1_max - p_r1_mid - p_r1_min
        p0n = _pow5(p_r0)
        le1_max = _pow5(p_r0 + p_r1_max)
        le1_mid = _pow5(p_r0 + p_r1_mid)
        le1_min = _pow5(p_r0 + p_r1_min)
        le2_mm = _pow5(p_r0 + p_r1_max + p_r1_mid + p_r2)
        le2_mn = _pow5(p_r0 + p_r1_max + p_r1_min)
        le2_dn = _pow5(p_r0 + p_r1_mid + p_r1_min)
        om_max, om_mid, om_min = 1.0 - pr_max, 1.0 - pr_mid, 1.0 - pr_min
        p_0 = p0n * om_max * om_mid * om_min
        p1_max = p0n * pr_max * om_mid * om_min + (le1_max - p0n) * om_mid * om_min
        p1_mid = p0n * pr_mid * om_min * om_max + (le1_mid - p0n) * om_min * om_max
        p1_min = p0n * pr_min * om_max * om_mid + (le1_min - p0n) * om_max * om_mid
        p2_mm = (p0n * pr_max * pr_mid * om_min
                 + (le1_max - p0n) * pr_mid * om_min
                 + (le1_mid - p0n) * pr_max * om_min
                 + (le2_mm - le1_max - le1_mid + p0n) * om_min)
        p2_mn = (p0n * pr_max * pr_min * om_mid
                 + (le1_max - p0n) * pr_min * om_mid
                 + (le1_min - p0n) * pr_max * om_mid
                 + (le2_mn - le1_max - le1_min + p0n) * om_mid)
        p2_dn = (p0n * pr_mid * pr_min * om_max
                 + (le1_mid - p0n) * pr_min * om_max
                 + (le1_min - p0n) * pr_mid * om_max
                 + (le2_dn - le1_mid - le1_min + p0n) * om_max)
        p_3 = 1.0 - p_0 - p1_max - p1_mid - p1_min - p2_mm - p2_mn - p2_dn
        p_2 = p2_mm + p2_mn + p2_dn
        return p_2 * wn, p_3 * wn

    e2a, e3a = tri_chunk(2 * tid)
    e2b, e3b = tri_chunk(2 * tid + 1)
    s2 = _splat(jnp.sum(e2a + e2b))
    s3 = _splat(jnp.sum(e3a + e3b))

    iso_ok = jnp.logical_and(lane == 2, _isplat(tid) < NB)
    part = (jnp.where(lane == 0, s2, 0.0)
            + jnp.where(lane == 1, s3, 0.0)
            + jnp.where(iso_ok, iso, 0.0))
    m_stage[...] = part
    pltpu.sync_copy(m_stage, sh_part.at[pl.ds(tid * L, L)])
    plsc.subcore_barrier()

    @pl.when(on_tile0)
    def _():
        pltpu.sync_copy(sh_part, m_big)
        tot = m_big[pl.ds(0, L)]
        for tt in range(1, L):
            tot = tot + m_big[pl.ds(tt * L, L)]
        m_tmp[...] = tot
        g_e2 = plsc.load_gather(m_tmp, [jnp.full((L,), 0, _i32)])
        g_e3 = plsc.load_gather(m_tmp, [jnp.full((L,), 1, _i32)])
        g_iso = plsc.load_gather(m_tmp, [jnp.full((L,), 2, _i32)])
        n_total = _splat(jnp.sum(nf))
        m_out[...] = (n_total - NPB * g_iso + e_m
                      + (g_e2 + g_e3) * (1.0 / 6.0))
        pltpu.sync_copy(m_out, out_hbm)


def kernel(alpha, p_blocks, N_blocks):
    packed = jnp.concatenate([
        alpha.astype(_f32),
        N_blocks.astype(_f32),
        p_blocks.astype(_f32).reshape(NB * NB),
    ])

    sck = pl.kernel(
        _sc_body,
        out_type=jax.ShapeDtypeStruct((L,), _f32),
        mesh=plsc.VectorSubcoreMesh(core_axis_name="c", subcore_axis_name="s",
                                    num_cores=1),
        scratch_types=[
            pltpu.VMEM((80,), _f32),
            pltpu.VMEM((L,), _f32),
            pltpu.VMEM((L,), _f32),
            pltpu.VMEM((NB * NB,), _f32),
            pltpu.VMEM((NB * NB,), _f32),
            pltpu.VMEM((L,), _f32),
            pltpu.VMEM((L,), _f32),
            pltpu.VMEM((L,), _f32),
            pltpu.VMEM((L * L,), _f32),
            pltpu.VMEM((L,), _f32),
            pltpu.VMEM_SHARED((8, L), _f32),
            pltpu.VMEM_SHARED((L * L,), _f32),
        ],
        compiler_params=pltpu.CompilerParams(needs_layout_passes=False,
                                             skip_device_barrier=True),
    )
    out = sck(packed)
    return out[0]

# --- scband reference (transcript-rebuilt; emitter-appended) ---
"""Pipeline reference for scband-iid-binding-sbm-68839735820335 (READ-ONLY COPY).

The authoritative reference and input builder live on the scoring server;
editing this copy changes nothing except your own understanding.
"""

import jax, jax.numpy as jnp
import numpy as np

NUM_EPS = 1e-08
N_ROUND = 5
N_PER_BLOCK = 256


def _isolated_nodes(edge_probs, edge_probs_rem, sample_probs, num_rounds):
    order = jnp.argsort(-edge_probs, axis=1)
    eps_sorted = jnp.take_along_axis(edge_probs, order, axis=1)
    sp_sorted = sample_probs[order]
    cp = jnp.cumprod(1.0 - sp_sorted, axis=1)
    cp = jnp.concatenate([jnp.ones((cp.shape[0], 1), cp.dtype), cp[:, :-1]], axis=1)
    coef = cp * sp_sorted
    pc = (coef * eps_sorted).sum(axis=1) * sample_probs
    pi = (1.0 - pc) ** num_rounds
    pi_rem = jnp.prod(1.0 - edge_probs_rem, axis=1)
    return (pi * pi_rem).sum()


def _forward(alpha, p_blocks, N_blocks):
    n_blocks = p_blocks.shape[0]
    nr = float(N_ROUND)
    n_total_static = n_blocks * N_PER_BLOCK
    n_total = N_blocks.sum()
    B_index = jnp.asarray(np.repeat(np.arange(n_blocks), N_PER_BLOCK))
    diag = jnp.arange(n_total_static)
    a = jax.nn.sigmoid(alpha)
    a_full = a[B_index]
    P = p_blocks
    P_full = P[B_index][:, B_index]
    P_full = P_full.at[diag, diag].set(0.0)
    Q = jnp.outer(a, a)
    Q_full = jnp.outer(a_full, a_full)
    R = jnp.clip((1.0 - (1.0 - P) ** (1.0 / nr)) / (Q + NUM_EPS), 0.0, 1.0)
    R_full = jnp.clip((1.0 - (1.0 - P_full) ** (1.0 / nr)) / (Q_full + NUM_EPS), 0.0, 1.0)
    R_full = R_full.at[diag, diag].set(0.0)
    P_rem = jnp.clip(1.0 - (1.0 - P) / ((1.0 - Q) ** nr + NUM_EPS), 0.0, 1.0)
    P_rem_full = jnp.clip(1.0 - (1.0 - P_full) / ((1.0 - Q_full) ** nr + NUM_EPS), 0.0, 1.0)
    P_rem_full = P_rem_full.at[diag, diag].set(0.0)
    n_isolated = _isolated_nodes(R_full, P_rem_full, a_full, N_ROUND)
    n_nonisolated = n_total - n_isolated
    E_m = P_full.sum() * 0.5
    ii, jj, kk = jnp.meshgrid(jnp.arange(n_blocks), jnp.arange(n_blocks), jnp.arange(n_blocks), indexing='ij')
    R_stack = jnp.stack((R[ii, jj], R[ii, kk], R[jj, kk]), axis=-1)
    order = jnp.argsort(R_stack, axis=-1)
    R_sorted = jnp.take_along_axis(R_stack, order, axis=-1)
    R_min, R_mid, R_max = R_sorted[..., 0], R_sorted[..., 1], R_sorted[..., 2]
    i_min, i_mid, i_max = order[..., 0:1], order[..., 1:2], order[..., 2:3]
    P_rem_stack = jnp.stack((P_rem[ii, jj], P_rem[ii, kk], P_rem[jj, kk]), axis=-1)
    P_rem_max = jnp.take_along_axis(P_rem_stack, i_max, axis=-1)[..., 0]
    P_rem_mid = jnp.take_along_axis(P_rem_stack, i_mid, axis=-1)[..., 0]
    P_rem_min = jnp.take_along_axis(P_rem_stack, i_min, axis=-1)[..., 0]
    a_stack = jnp.stack((a[kk], a[jj], a[ii]), axis=-1)
    alpha_max = jnp.take_along_axis(a_stack, i_max, axis=-1)[..., 0]
    alpha_mid = jnp.take_along_axis(a_stack, i_mid, axis=-1)[..., 0]
    alpha_min = jnp.take_along_axis(a_stack, i_min, axis=-1)[..., 0]
    pg_3 = alpha_max * alpha_mid * alpha_min
    pg_2_max = (1 - alpha_max) * alpha_mid * alpha_min
    pg_2_mid = alpha_max * (1 - alpha_mid) * alpha_min
    pg_2_min = alpha_max * alpha_mid * (1 - alpha_min)
    p_round_3 = pg_3 * R_min
    p_round_2 = pg_3 * (R_mid - R_min)
    p_round_1_max = pg_3 * (R_max - R_mid) + pg_2_max * R_max
    p_round_1_mid = pg_2_mid * R_mid
    p_round_1_min = pg_2_min * R_min
    p_round_0 = 1 - p_round_3 - p_round_2 - p_round_1_max - p_round_1_mid - p_round_1_min
    p_le1_max = p_round_0 + p_round_1_max
    p_le1_mid = p_round_0 + p_round_1_mid
    p_le1_min = p_round_0 + p_round_1_min
    p_le2_max_mid = p_round_0 + p_round_1_max + p_round_1_mid + p_round_2
    p_le2_max_min = p_round_0 + p_round_1_max + p_round_1_min
    p_le2_mid_min = p_round_0 + p_round_1_mid + p_round_1_min
    p0n = p_round_0 ** nr
    P_0 = p0n * (1 - P_rem_max) * (1 - P_rem_mid) * (1 - P_rem_min)
    P_1_max = p0n * P_rem_max * (1 - P_rem_mid) * (1 - P_rem_min) + (p_le1_max ** nr - p0n) * (1 - P_rem_mid) * (1 - P_rem_min)
    P_1_mid = p0n * P_rem_mid * (1 - P_rem_min) * (1 - P_rem_max) + (p_le1_mid ** nr - p0n) * (1 - P_rem_min) * (1 - P_rem_max)
    P_1_min = p0n * P_rem_min * (1 - P_rem_max) * (1 - P_rem_mid) + (p_le1_min ** nr - p0n) * (1 - P_rem_max) * (1 - P_rem_mid)
    P_2_max_mid = p0n * P_rem_max * P_rem_mid * (1 - P_rem_min) + (p_le1_max ** nr - p0n) * P_rem_mid * (1 - P_rem_min) + (p_le1_mid ** nr - p0n) * P_rem_max * (1 - P_rem_min) + (p_le2_max_mid ** nr - p_le1_max ** nr - p_le1_mid ** nr + p0n) * (1 - P_rem_min)
    P_2_max_min = p0n * P_rem_max * P_rem_min * (1 - P_rem_mid) + (p_le1_max ** nr - p0n) * P_rem_min * (1 - P_rem_mid) + (p_le1_min ** nr - p0n) * P_rem_max * (1 - P_rem_mid) + (p_le2_max_min ** nr - p_le1_max ** nr - p_le1_min ** nr + p0n) * (1 - P_rem_mid)
    P_2_mid_min = p0n * P_rem_mid * P_rem_min * (1 - P_rem_max) + (p_le1_mid ** nr - p0n) * P_rem_min * (1 - P_rem_max) + (p_le1_min ** nr - p0n) * P_rem_mid * (1 - P_rem_max) + (p_le2_mid_min ** nr - p_le1_mid ** nr - p_le1_min ** nr + p0n) * (1 - P_rem_max)
    P_3 = 1 - P_0 - P_1_max - P_1_mid - P_1_min - P_2_max_mid - P_2_max_min - P_2_mid_min
    P_1 = P_1_max + P_1_mid + P_1_min
    P_2 = P_2_max_mid + P_2_max_min + P_2_mid_min
    Nf = N_blocks.astype(jnp.float32)
    w = Nf[ii] * Nf[jj] * Nf[kk]
    E_two = (P_2 * w).sum() / 6.0
    E_tri = (P_3 * w).sum() / 6.0
    return n_nonisolated + E_m + E_two + E_tri


def setup_inputs():
    n_blocks = 8
    alpha = jnp.full((n_blocks,), -0.8472979, dtype=jnp.float32)
    p = np.full((n_blocks, n_blocks), 0.02, dtype=np.float32)
    np.fill_diagonal(p, 0.08)
    p_blocks = jnp.asarray(p)
    N_blocks = jnp.full((n_blocks,), 256, dtype=jnp.int32)
    return {"alpha": alpha, "p_blocks": p_blocks, "N_blocks": N_blocks}


def reference(alpha, p_blocks, N_blocks):
    return _forward(alpha, p_blocks, N_blocks)

if __name__ == "__main__":
    import jax
    _d = setup_inputs()
    print(jax.jit(kernel)(*tuple(_d.values())))

</pallas_src>

<mosaic_0001>
#map = affine_map<(d0, d1) -> (0)>
module attributes {stable_mosaic.version = 14 : i64} {
  func.func @_sc_body(%arg0: i32, %arg1: i32, %arg2: memref<80xf32, #tpu.memory_space<hbm>>, %arg3: memref<16xf32, #tpu.memory_space<hbm>>, %arg4: memref<80xf32, #tpu.memory_space<vmem>>, %arg5: memref<16xf32, #tpu.memory_space<vmem>>, %arg6: memref<16xf32, #tpu.memory_space<vmem>>, %arg7: memref<64xf32, #tpu.memory_space<vmem>>, %arg8: memref<64xf32, #tpu.memory_space<vmem>>, %arg9: memref<16xf32, #tpu.memory_space<vmem>>, %arg10: memref<16xf32, #tpu.memory_space<vmem>>, %arg11: memref<16xf32, #tpu.memory_space<vmem>>, %arg12: memref<256xf32, #tpu.memory_space<vmem>>, %arg13: memref<16xf32, #tpu.memory_space<vmem>>, %arg14: memref<8x16xf32, #tpu.memory_space<vmem_shared>>, %arg15: memref<256xf32, #tpu.memory_space<vmem_shared>>) attributes {dimension_semantics = [#tpu.dimension_semantics<core_parallel>, #tpu.dimension_semantics<subcore_parallel>], iteration_bounds = array<i64: 1, 16>, scalar_prefetch = 0 : i64, scratch_operands = 12 : i64, tpu.core_type = #tpu.core_type<sc_vector_subcore>, window_params = [{transform_indices = #map}, {transform_indices = #map}]} {
    %eq3A = arith.constant 0 : i32
    %eq3A_0 = arith.cmpi eq, %arg1, %eq3A : i32
    %iota3A = tpu.iota {dimensions = array<i32: 0>} : vector<16xi32>
    %and3A = arith.constant 7 : i32
    %and3A_1 = vector.broadcast %and3A : i32 to vector<16xi32>
    %and3A_2 = arith.andi %iota3A, %and3A_1 : vector<16xi32>
    "tpu.region"() ({
      %run_scoped3A = tpu.sem_alloc : memref<!tpu.dma_semaphore, #tpu.memory_space<semaphore_mem>>
      tpu.enqueue_dma source(%arg2 : memref<80xf32, #tpu.memory_space<hbm>>) target(%arg4 : memref<80xf32, #tpu.memory_space<vmem>>) target_semaphore(%run_scoped3A : memref<!tpu.dma_semaphore, #tpu.memory_space<semaphore_mem>>)
      tpu.wait_dma2 semaphore(%run_scoped3A : memref<!tpu.dma_semaphore, #tpu.memory_space<semaphore_mem>>) src(%arg2 : memref<80xf32, #tpu.memory_space<hbm>>) dst(%arg4 : memref<80xf32, #tpu.memory_space<vmem>>)
      tpu.yield
    }) : () -> ()
    %gather3A = tpu.vector_load_idx %arg4[%and3A_2] : memref<80xf32, #tpu.memory_space<vmem>>[vector<16xi32>], vector<16xf32>,
    %neg3A = arith.constant 0.000000e+00 : f32
    %neg3A_3 = vector.broadcast %neg3A : f32 to vector<16xf32>
    %neg3A_4 = arith.subf %neg3A_3, %gather3A : vector<16xf32>
    %exp3A = math.exp %neg3A_4 : vector<16xf32>
    %add3A = arith.constant 1.000000e+00 : f32
    %add3A_5 = vector.broadcast %add3A : f32 to vector<16xf32>
    %add3A_6 = arith.addf %add3A_5, %exp3A : vector<16xf32>
    %div3A = arith.constant 1.000000e+00 : f32
    %div3A_7 = vector.broadcast %div3A : f32 to vector<16xf32>
    %div3A_8 = arith.divf %div3A_7, %add3A_6 : vector<16xf32>
    %swap3A = arith.constant 0 : index
    %swap3A_9 = tpu.vector_load %arg5[%swap3A] {strides = array<i32>} : memref<16xf32, #tpu.memory_space<vmem>>, vector<16xf32>,
    tpu.vector_store %arg5[%swap3A], %div3A_8 {strides = array<i32>} : memref<16xf32, #tpu.memory_space<vmem>>, vector<16xf32>,
    %add3A_10 = arith.constant 8 : i32
    %add3A_11 = vector.broadcast %add3A_10 : i32 to vector<16xi32>
    %add3A_12 = arith.addi %and3A_2, %add3A_11 : vector<16xi32>
    %gather3A_13 = tpu.vector_load_idx %arg4[%add3A_12] : memref<80xf32, #tpu.memory_space<vmem>>[vector<16xi32>], vector<16xf32>,
    %lt3A = arith.constant 8 : i32
    %lt3A_14 = vector.broadcast %lt3A : i32 to vector<16xi32>
    %lt3A_15 = arith.cmpi slt, %iota3A, %lt3A_14 : vector<16xi32>
    %jit3A = arith.constant 0.000000e+00 : f32
    %broadcast_in_dim3A = vector.broadcast %jit3A : f32 to vector<16xf32>
    %select_n3A = arith.select %lt3A_15, %gather3A_13, %broadcast_in_dim3A : vector<16xi1>, vector<16xf32>
    %swap3A_16 = arith.constant 0 : index
    %swap3A_17 = tpu.vector_load %arg6[%swap3A_16] {strides = array<i32>} : memref<16xf32, #tpu.memory_space<vmem>>, vector<16xf32>,
    tpu.vector_store %arg6[%swap3A_16], %select_n3A {strides = array<i32>} : memref<16xf32, #tpu.memory_space<vmem>>, vector<16xf32>,
    %sub3A = arith.constant 1.000000e+00 : f32
    %sub3A_18 = vector.broadcast %sub3A : f32 to vector<16xf32>
    %sub3A_19 = arith.subf %sub3A_18, %div3A_8 : vector<16xf32>
    %mul3A = arith.mulf %sub3A_19, %sub3A_19 : vector<16xf32>
    %mul3A_20 = arith.mulf %mul3A, %mul3A : vector<16xf32>
    %mul3A_21 = arith.mulf %mul3A_20, %mul3A_20 : vector<16xf32>
    %mul3A_22 = arith.mulf %mul3A_21, %mul3A_21 : vector<16xf32>
    %mul3A_23 = arith.mulf %mul3A_22, %mul3A_22 : vector<16xf32>
    %mul3A_24 = arith.mulf %mul3A_23, %mul3A_23 : vector<16xf32>
    %mul3A_25 = arith.mulf %mul3A_24, %mul3A_24 : vector<16xf32>
    %mul3A_26 = arith.mulf %sub3A_19, %mul3A : vector<16xf32>
    %mul3A_27 = arith.mulf %mul3A_20, %mul3A_21 : vector<16xf32>
    %mul3A_28 = arith.mulf %mul3A_26, %mul3A_27 : vector<16xf32>
    %mul3A_29 = arith.mulf %mul3A_22, %mul3A_23 : vector<16xf32>
    %mul3A_30 = arith.mulf %mul3A_24, %mul3A_25 : vector<16xf32>
    %mul3A_31 = arith.mulf %mul3A_29, %mul3A_30 : vector<16xf32>
    %mul3A_32 = arith.mulf %mul3A_28, %mul3A_31 : vector<16xf32>
    %mul3A_33 = arith.mulf %mul3A_32, %sub3A_19 : vector<16xf32>
    %broadcast_in_dim3A_34 = arith.constant 0.000000e+00 : f32
    %broadcast_in_dim3A_35 = vector.broadcast %broadcast_in_dim3A_34 : f32 to vector<16xf32>
    %broadcast_in_dim3A_36 = arith.constant 0.000000e+00 : f32
    %broadcast_in_dim3A_37 = vector.broadcast %broadcast_in_dim3A_36 : f32 to vector<16xf32>
    %add3A_38 = arith.constant 0 : i32
    %add3A_39 = vector.broadcast %add3A_38 : i32 to vector<16xi32>
    %add3A_40 = arith.addi %add3A_39, %iota3A : vector<16xi32>
    %shift_right_logical3A = arith.constant 3 : i32
    %shift_right_logical3A_41 = vector.broadcast %shift_right_logical3A : i32 to vector<16xi32>
    %shift_right_logical3A_42 = arith.shrui %add3A_40, %shift_right_logical3A_41 : vector<16xi32>
    %and3A_43 = arith.constant 7 : i32
    %and3A_44 = vector.broadcast %and3A_43 : i32 to vector<16xi32>
    %and3A_45 = arith.andi %add3A_40, %and3A_44 : vector<16xi32>
    %get3A = arith.constant 16 : index
    %get3A_46 = tpu.vector_load %arg4[%get3A] {strides = array<i32>} : memref<80xf32, #tpu.memory_space<vmem>>, vector<16xf32>,
    %gather3A_47 = tpu.vector_load_idx %arg5[%shift_right_logical3A_42] : memref<16xf32, #tpu.memory_space<vmem>>[vector<16xi32>], vector<16xf32>,
    %gather3A_48 = tpu.vector_load_idx %arg5[%and3A_45] : memref<16xf32, #tpu.memory_space<vmem>>[vector<16xi32>], vector<16xf32>,
    %mul3A_49 = arith.mulf %gather3A_47, %gather3A_48 : vector<16xf32>
    %sub3A_50 = arith.constant 1.000000e+00 : f32
    %sub3A_51 = vector.broadcast %sub3A_50 : f32 to vector<16xf32>
    %sub3A_52 = arith.subf %sub3A_51, %get3A_46 : vector<16xf32>
    %bitcast_convert_type3A = tpu.bitcast %sub3A_52 : vector<16xf32> -> vector<16xi32>
    %convert_element_type3A = arith.sitofp %bitcast_convert_type3A : vector<16xi32> to vector<16xf32>
    %mul3A_53 = arith.constant 2.000000e-01 : f32
    %mul3A_54 = vector.broadcast %mul3A_53 : f32 to vector<16xf32>
    %mul3A_55 = arith.mulf %convert_element_type3A, %mul3A_54 : vector<16xf32>
    %add3A_56 = arith.constant 8.519800e+08 : f32
    %add3A_57 = vector.broadcast %add3A_56 : f32 to vector<16xf32>
    %add3A_58 = arith.addf %mul3A_55, %add3A_57 : vector<16xf32>
    %convert_element_type3A_59 = arith.fptosi %add3A_58 : vector<16xf32> to vector<16xi32>
    %bitcast_convert_type3A_60 = tpu.bitcast %convert_element_type3A_59 : vector<16xi32> -> vector<16xf32>
    %mul3A_61 = arith.mulf %bitcast_convert_type3A_60, %bitcast_convert_type3A_60 : vector<16xf32>
    %mul3A_62 = arith.mulf %bitcast_convert_type3A_60, %bitcast_convert_type3A_60 : vector<16xf32>
    %mul3A_63 = arith.mulf %mul3A_61, %mul3A_62 : vector<16xf32>
    %mul3A_64 = arith.constant 8.000000e-01 : f32
    %mul3A_65 = vector.broadcast %mul3A_64 : f32 to vector<16xf32>
    %mul3A_66 = arith.mulf %mul3A_65, %bitcast_convert_type3A_60 : vector<16xf32>
    %div3A_67 = arith.divf %sub3A_52, %mul3A_63 : vector<16xf32>
    %mul3A_68 = arith.constant 2.000000e-01 : f32
    %mul3A_69 = vector.broadcast %mul3A_68 : f32 to vector<16xf32>
    %mul3A_70 = arith.mulf %mul3A_69, %div3A_67 : vector<16xf32>
    %add3A_71 = arith.addf %mul3A_66, %mul3A_70 : vector<16xf32>
    %mul3A_72 = arith.mulf %add3A_71, %add3A_71 : vector<16xf32>
    %mul3A_73 = arith.mulf %add3A_71, %add3A_71 : vector<16xf32>
    %mul3A_74 = arith.mulf %mul3A_72, %mul3A_73 : vector<16xf32>
    %mul3A_75 = arith.constant 8.000000e-01 : f32
    %mul3A_76 = vector.broadcast %mul3A_75 : f32 to vector<16xf32>
    %mul3A_77 = arith.mulf %mul3A_76, %add3A_71 : vector<16xf32>
    %div3A_78 = arith.divf %sub3A_52, %mul3A_74 : vector<16xf32>
    %mul3A_79 = arith.constant 2.000000e-01 : f32
    %mul3A_80 = vector.broadcast %mul3A_79 : f32 to vector<16xf32>
    %mul3A_81 = arith.mulf %mul3A_80, %div3A_78 : vector<16xf32>
    %add3A_82 = arith.addf %mul3A_77, %mul3A_81 : vector<16xf32>
    %mul3A_83 = arith.mulf %add3A_82, %add3A_82 : vector<16xf32>
    %mul3A_84 = arith.mulf %add3A_82, %add3A_82 : vector<16xf32>
    %mul3A_85 = arith.mulf %mul3A_83, %mul3A_84 : vector<16xf32>
    %mul3A_86 = arith.constant 8.000000e-01 : f32
    %mul3A_87 = vector.broadcast %mul3A_86 : f32 to vector<16xf32>
    %mul3A_88 = arith.mulf %mul3A_87, %add3A_82 : vector<16xf32>
    %div3A_89 = arith.divf %sub3A_52, %mul3A_85 : vector<16xf32>
    %mul3A_90 = arith.constant 2.000000e-01 : f32
    %mul3A_91 = vector.broadcast %mul3A_90 : f32 to vector<16xf32>
    %mul3A_92 = arith.mulf %mul3A_91, %div3A_89 : vector<16xf32>
    %add3A_93 = arith.addf %mul3A_88, %mul3A_92 : vector<16xf32>
    %sub3A_94 = arith.constant 1.000000e+00 : f32
    %sub3A_95 = vector.broadcast %sub3A_94 : f32 to vector<16xf32>
    %sub3A_96 = arith.subf %sub3A_95, %add3A_93 : vector<16xf32>
    %add3A_97 = arith.constant 9.99999993E-9 : f32
    %add3A_98 = vector.broadcast %add3A_97 : f32 to vector<16xf32>
    %add3A_99 = arith.addf %mul3A_49, %add3A_98 : vector<16xf32>
    %div3A_100 = arith.divf %sub3A_96, %add3A_99 : vector<16xf32>
    %jit3A_101 = arith.constant 0.000000e+00 : f32
    %jit3A_102 = arith.constant 1.000000e+00 : f32
    %max3A = vector.broadcast %jit3A_101 : f32 to vector<16xf32>
    %max3A_103 = arith.maximumf %max3A, %div3A_100 : vector<16xf32>
    %min3A = vector.broadcast %jit3A_102 : f32 to vector<16xf32>
    %min3A_104 = arith.minimumf %min3A, %max3A_103 : vector<16xf32>
    %sub3A_105 = arith.constant 1.000000e+00 : f32
    %sub3A_106 = vector.broadcast %sub3A_105 : f32 to vector<16xf32>
    %sub3A_107 = arith.subf %sub3A_106, %mul3A_49 : vector<16xf32>
    %mul3A_108 = arith.mulf %sub3A_107, %sub3A_107 : vector<16xf32>
    %mul3A_109 = arith.mulf %mul3A_108, %mul3A_108 : vector<16xf32>
    %mul3A_110 = arith.mulf %mul3A_109, %sub3A_107 : vector<16xf32>
    %add3A_111 = arith.constant 9.99999993E-9 : f32
    %add3A_112 = vector.broadcast %add3A_111 : f32 to vector<16xf32>
    %add3A_113 = arith.addf %mul3A_110, %add3A_112 : vector<16xf32>
    %div3A_114 = arith.divf %sub3A_52, %add3A_113 : vector<16xf32>
    %sub3A_115 = arith.constant 1.000000e+00 : f32
    %sub3A_116 = vector.broadcast %sub3A_115 : f32 to vector<16xf32>
    %sub3A_117 = arith.subf %sub3A_116, %div3A_114 : vector<16xf32>
    %jit3A_118 = arith.constant 0.000000e+00 : f32
    %jit3A_119 = arith.constant 1.000000e+00 : f32
    %max3A_120 = vector.broadcast %jit3A_118 : f32 to vector<16xf32>
    %max3A_121 = arith.maximumf %max3A_120, %sub3A_117 : vector<16xf32>
    %min3A_122 = vector.broadcast %jit3A_119 : f32 to vector<16xf32>
    %min3A_123 = arith.minimumf %min3A_122, %max3A_121 : vector<16xf32>
    %swap3A_124 = arith.constant 0 : index
    %swap3A_125 = tpu.vector_load %arg7[%swap3A_124] {strides = array<i32>} : memref<64xf32, #tpu.memory_space<vmem>>, vector<16xf32>,
    tpu.vector_store %arg7[%swap3A_124], %min3A_104 {strides = array<i32>} : memref<64xf32, #tpu.memory_space<vmem>>, vector<16xf32>,
    %swap3A_126 = arith.constant 0 : index
    %swap3A_127 = tpu.vector_load %arg8[%swap3A_126] {strides = array<i32>} : memref<64xf32, #tpu.memory_space<vmem>>, vector<16xf32>,
    tpu.vector_store %arg8[%swap3A_126], %min3A_123 {strides = array<i32>} : memref<64xf32, #tpu.memory_space<vmem>>, vector<16xf32>,
    %reduce_sum3A = arith.constant true
    %reduce_sum3A_128 = vector.broadcast %reduce_sum3A : i1 to vector<16xi1>
    %reduce_sum3A_129 = tpu.scan <sum>, %get3A_46 masked %reduce_sum3A_128 : vector<16xf32>, vector<16xi1> -> vector<16xf32>
    %reduce_sum3A_130 = vector.extract %reduce_sum3A_129[15] : f32 from vector<16xf32>
    %broadcast_in_dim3A_131 = arith.constant 1.000000e+00 : f32
    %broadcast_in_dim3A_132 = vector.broadcast %broadcast_in_dim3A_131 : f32 to vector<16xf32>
    %mul3A_133 = vector.broadcast %reduce_sum3A_130 : f32 to vector<16xf32>
    %mul3A_134 = arith.mulf %mul3A_133, %broadcast_in_dim3A_132 : vector<16xf32>
    %add3A_135 = arith.addf %broadcast_in_dim3A_35, %mul3A_134 : vector<16xf32>
    %eq3A_136 = arith.cmpi eq, %shift_right_logical3A_42, %and3A_45 : vector<16xi32>
    %jit3A_137 = arith.constant 0.000000e+00 : f32
    %broadcast_in_dim3A_138 = vector.broadcast %jit3A_137 : f32 to vector<16xf32>
    %select_n3A_139 = arith.select %eq3A_136, %get3A_46, %broadcast_in_dim3A_138 : vector<16xi1>, vector<16xf32>
    %reduce_sum3A_140 = arith.constant true
    %reduce_sum3A_141 = vector.broadcast %reduce_sum3A_140 : i1 to vector<16xi1>
    %reduce_sum3A_142 = tpu.scan <sum>, %select_n3A_139 masked %reduce_sum3A_141 : vector<16xf32>, vector<16xi1> -> vector<16xf32>
    %reduce_sum3A_143 = vector.extract %reduce_sum3A_142[15] : f32 from vector<16xf32>
    %broadcast_in_dim3A_144 = arith.constant 1.000000e+00 : f32
    %broadcast_in_dim3A_145 = vector.broadcast %broadcast_in_dim3A_144 : f32 to vector<16xf32>
    %mul3A_146 = vector.broadcast %reduce_sum3A_143 : f32 to vector<16xf32>
    %mul3A_147 = arith.mulf %mul3A_146, %broadcast_in_dim3A_145 : vector<16xf32>
    %add3A_148 = arith.addf %broadcast_in_dim3A_37, %mul3A_147 : vector<16xf32>
    %add3A_149 = arith.constant 16 : i32
    %add3A_150 = vector.broadcast %add3A_149 : i32 to vector<16xi32>
    %add3A_151 = arith.addi %add3A_150, %iota3A : vector<16xi32>
    %shift_right_logical3A_152 = arith.constant 3 : i32
    %shift_right_logical3A_153 = vector.broadcast %shift_right_logical3A_152 : i32 to vector<16xi32>
    %shift_right_logical3A_154 = arith.shrui %add3A_151, %shift_right_logical3A_153 : vector<16xi32>
    %and3A_155 = arith.constant 7 : i32
    %and3A_156 = vector.broadcast %and3A_155 : i32 to vector<16xi32>
    %and3A_157 = arith.andi %add3A_151, %and3A_156 : vector<16xi32>
    %get3A_158 = arith.constant 32 : index
    %get3A_159 = tpu.vector_load %arg4[%get3A_158] {strides = array<i32>} : memref<80xf32, #tpu.memory_space<vmem>>, vector<16xf32>,
    %gather3A_160 = tpu.vector_load_idx %arg5[%shift_right_logical3A_154] : memref<16xf32, #tpu.memory_space<vmem>>[vector<16xi32>], vector<16xf32>,
    %gather3A_161 = tpu.vector_load_idx %arg5[%and3A_157] : memref<16xf32, #tpu.memory_space<vmem>>[vector<16xi32>], vector<16xf32>,
    %mul3A_162 = arith.mulf %gather3A_160, %gather3A_161 : vector<16xf32>
    %sub3A_163 = arith.constant 1.000000e+00 : f32
    %sub3A_164 = vector.broadcast %sub3A_163 : f32 to vector<16xf32>
    %sub3A_165 = arith.subf %sub3A_164, %get3A_159 : vector<16xf32>
    %bitcast_convert_type3A_166 = tpu.bitcast %sub3A_165 : vector<16xf32> -> vector<16xi32>
    %convert_element_type3A_167 = arith.sitofp %bitcast_convert_type3A_166 : vector<16xi32> to vector<16xf32>
    %mul3A_168 = arith.constant 2.000000e-01 : f32
    %mul3A_169 = vector.broadcast %mul3A_168 : f32 to vector<16xf32>
    %mul3A_170 = arith.mulf %convert_element_type3A_167, %mul3A_169 : vector<16xf32>
    %add3A_171 = arith.constant 8.519800e+08 : f32
    %add3A_172 = vector.broadcast %add3A_171 : f32 to vector<16xf32>
    %add3A_173 = arith.addf %mul3A_170, %add3A_172 : vector<16xf32>
    %convert_element_type3A_174 = arith.fptosi %add3A_173 : vector<16xf32> to vector<16xi32>
    %bitcast_convert_type3A_175 = tpu.bitcast %convert_element_type3A_174 : vector<16xi32> -> vector<16xf32>
    %mul3A_176 = arith.mulf %bitcast_convert_type3A_175, %bitcast_convert_type3A_175 : vector<16xf32>
    %mul3A_177 = arith.mulf %bitcast_convert_type3A_175, %bitcast_convert_type3A_175 : vector<16xf32>
    %mul3A_178 = arith.mulf %mul3A_176, %mul3A_177 : vector<16xf32>
    %mul3A_179 = arith.constant 8.000000e-01 : f32
    %mul3A_180 = vector.broadcast %mul3A_179 : f32 to vector<16xf32>
    %mul3A_181 = arith.mulf %mul3A_180, %bitcast_convert_type3A_175 : vector<16xf32>
    %div3A_182 = arith.divf %sub3A_165, %mul3A_178 : vector<16xf32>
    %mul3A_183 = arith.constant 2.000000e-01 : f32
    %mul3A_184 = vector.broadcast %mul3A_183 : f32 to vector<16xf32>
    %mul3A_185 = arith.mulf %mul3A_184, %div3A_182 : vector<16xf32>
    %add3A_186 = arith.addf %mul3A_181, %mul3A_185 : vector<16xf32>
    %mul3A_187 = arith.mulf %add3A_186, %add3A_186 : vector<16xf32>
    %mul3A_188 = arith.mulf %add3A_186, %add3A_186 : vector<16xf32>
    %mul3A_189 = arith.mulf %mul3A_187, %mul3A_188 : vector<16xf32>
    %mul3A_190 = arith.constant 8.000000e-01 : f32
    %mul3A_191 = vector.broadcast %mul3A_190 : f32 to vector<16xf32>
    %mul3A_192 = arith.mulf %mul3A_191, %add3A_186 : vector<16xf32>
    %div3A_193 = arith.divf %sub3A_165, %mul3A_189 : vector<16xf32>
    %mul3A_194 = arith.constant 2.000000e-01 : f32
    %mul3A_195 = vector.broadcast %mul3A_194 : f32 to vector<16xf32>
    %mul3A_196 = arith.mulf %mul3A_195, %div3A_193 : vector<16xf32>
    %add3A_197 = arith.addf %mul3A_192, %mul3A_196 : vector<16xf32>
    %mul3A_198 = arith.mulf %add3A_197, %add3A_197 : vector<16xf32>
    %mul3A_199 = arith.mulf %add3A_197, %add3A_197 : vector<16xf32>
    %mul3A_200 = arith.mulf %mul3A_198, %mul3A_199 : vector<16xf32>
    %mul3A_201 = arith.constant 8.000000e-01 : f32
    %mul3A_202 = vector.broadcast %mul3A_201 : f32 to vector<16xf32>
    %mul3A_203 = arith.mulf %mul3A_202, %add3A_197 : vector<16xf32>
    %div3A_204 = arith.divf %sub3A_165, %mul3A_200 : vector<16xf32>
    %mul3A_205 = arith.constant 2.000000e-01 : f32
    %mul3A_206 = vector.broadcast %mul3A_205 : f32 to vector<16xf32>
    %mul3A_207 = arith.mulf %mul3A_206, %div3A_204 : vector<16xf32>
    %add3A_208 = arith.addf %mul3A_203, %mul3A_207 : vector<16xf32>
    %sub3A_209 = arith.constant 1.000000e+00 : f32
    %sub3A_210 = vector.broadcast %sub3A_209 : f32 to vector<16xf32>
    %sub3A_211 = arith.subf %sub3A_210, %add3A_208 : vector<16xf32>
    %add3A_212 = arith.constant 9.99999993E-9 : f32
    %add3A_213 = vector.broadcast %add3A_212 : f32 to vector<16xf32>
    %add3A_214 = arith.addf %mul3A_162, %add3A_213 : vector<16xf32>
    %div3A_215 = arith.divf %sub3A_211, %add3A_214 : vector<16xf32>
    %jit3A_216 = arith.constant 0.000000e+00 : f32
    %jit3A_217 = arith.constant 1.000000e+00 : f32
    %max3A_218 = vector.broadcast %jit3A_216 : f32 to vector<16xf32>
    %max3A_219 = arith.maximumf %max3A_218, %div3A_215 : vector<16xf32>
    %min3A_220 = vector.broadcast %jit3A_217 : f32 to vector<16xf32>
    %min3A_221 = arith.minimumf %min3A_220, %max3A_219 : vector<16xf32>
    %sub3A_222 = arith.constant 1.000000e+00 : f32
    %sub3A_223 = vector.broadcast %sub3A_222 : f32 to vector<16xf32>
    %sub3A_224 = arith.subf %sub3A_223, %mul3A_162 : vector<16xf32>
    %mul3A_225 = arith.mulf %sub3A_224, %sub3A_224 : vector<16xf32>
    %mul3A_226 = arith.mulf %mul3A_225, %mul3A_225 : vector<16xf32>
    %mul3A_227 = arith.mulf %mul3A_226, %sub3A_224 : vector<16xf32>
    %add3A_228 = arith.constant 9.99999993E-9 : f32
    %add3A_229 = vector.broadcast %add3A_228 : f32 to vector<16xf32>
    %add3A_230 = arith.addf %mul3A_227, %add3A_229 : vector<16xf32>
    %div3A_231 = arith.divf %sub3A_165, %add3A_230 : vector<16xf32>
    %sub3A_232 = arith.constant 1.000000e+00 : f32
    %sub3A_233 = vector.broadcast %sub3A_232 : f32 to vector<16xf32>
    %sub3A_234 = arith.subf %sub3A_233, %div3A_231 : vector<16xf32>
    %jit3A_235 = arith.constant 0.000000e+00 : f32
    %jit3A_236 = arith.constant 1.000000e+00 : f32
    %max3A_237 = vector.broadcast %jit3A_235 : f32 to vector<16xf32>
    %max3A_238 = arith.maximumf %max3A_237, %sub3A_234 : vector<16xf32>
    %min3A_239 = vector.broadcast %jit3A_236 : f32 to vector<16xf32>
    %min3A_240 = arith.minimumf %min3A_239, %max3A_238 : vector<16xf32>
    %swap3A_241 = arith.constant 16 : index
    %swap3A_242 = tpu.vector_load %arg7[%swap3A_241] {strides = array<i32>} : memref<64xf32, #tpu.memory_space<vmem>>, vector<16xf32>,
    tpu.vector_store %arg7[%swap3A_241], %min3A_221 {strides = array<i32>} : memref<64xf32, #tpu.memory_space<vmem>>, vector<16xf32>,
    %swap3A_243 = arith.constant 16 : index
    %swap3A_244 = tpu.vector_load %arg8[%swap3A_243] {strides = array<i32>} : memref<64xf32, #tpu.memory_space<vmem>>, vector<16xf32>,
    tpu.vector_store %arg8[%swap3A_243], %min3A_240 {strides = array<i32>} : memref<64xf32, #tpu.memory_space<vmem>>, vector<16xf32>,
    %reduce_sum3A_245 = arith.constant true
    %reduce_sum3A_246 = vector.broadcast %reduce_sum3A_245 : i1 to vector<16xi1>
    %reduce_sum3A_247 = tpu.scan <sum>, %get3A_159 masked %reduce_sum3A_246 : vector<16xf32>, vector<16xi1> -> vector<16xf32>
    %reduce_sum3A_248 = vector.extract %reduce_sum3A_247[15] : f32 from vector<16xf32>
    %broadcast_in_dim3A_249 = arith.constant 1.000000e+00 : f32
    %broadcast_in_dim3A_250 = vector.broadcast %broadcast_in_dim3A_249 : f32 to vector<16xf32>
    %mul3A_251 = vector.broadcast %reduce_sum3A_248 : f32 to vector<16xf32>
    %mul3A_252 = arith.mulf %mul3A_251, %broadcast_in_dim3A_250 : vector<16xf32>
    %add3A_253 = arith.addf %add3A_135, %mul3A_252 : vector<16xf32>
    %eq3A_254 = arith.cmpi eq, %shift_right_logical3A_154, %and3A_157 : vector<16xi32>
    %jit3A_255 = arith.constant 0.000000e+00 : f32
    %broadcast_in_dim3A_256 = vector.broadcast %jit3A_255 : f32 to vector<16xf32>
    %select_n3A_257 = arith.select %eq3A_254, %get3A_159, %broadcast_in_dim3A_256 : vector<16xi1>, vector<16xf32>
    %reduce_sum3A_258 = arith.constant true
    %reduce_sum3A_259 = vector.broadcast %reduce_sum3A_258 : i1 to vector<16xi1>
    %reduce_sum3A_260 = tpu.scan <sum>, %select_n3A_257 masked %reduce_sum3A_259 : vector<16xf32>, vector<16xi1> -> vector<16xf32>
    %reduce_sum3A_261 = vector.extract %reduce_sum3A_260[15] : f32 from vector<16xf32>
    %broadcast_in_dim3A_262 = arith.constant 1.000000e+00 : f32
    %broadcast_in_dim3A_263 = vector.broadcast %broadcast_in_dim3A_262 : f32 to vector<16xf32>
    %mul3A_264 = vector.broadcast %reduce_sum3A_261 : f32 to vector<16xf32>
    %mul3A_265 = arith.mulf %mul3A_264, %broadcast_in_dim3A_263 : vector<16xf32>
    %add3A_266 = arith.addf %add3A_148, %mul3A_265 : vector<16xf32>
    %add3A_267 = arith.constant 32 : i32
    %add3A_268 = vector.broadcast %add3A_267 : i32 to vector<16xi32>
    %add3A_269 = arith.addi %add3A_268, %iota3A : vector<16xi32>
    %shift_right_logical3A_270 = arith.constant 3 : i32
    %shift_right_logical3A_271 = vector.broadcast %shift_right_logical3A_270 : i32 to vector<16xi32>
    %shift_right_logical3A_272 = arith.shrui %add3A_269, %shift_right_logical3A_271 : vector<16xi32>
    %and3A_273 = arith.constant 7 : i32
    %and3A_274 = vector.broadcast %and3A_273 : i32 to vector<16xi32>
    %and3A_275 = arith.andi %add3A_269, %and3A_274 : vector<16xi32>
    %get3A_276 = arith.constant 48 : index
    %get3A_277 = tpu.vector_load %arg4[%get3A_276] {strides = array<i32>} : memref<80xf32, #tpu.memory_space<vmem>>, vector<16xf32>,
    %gather3A_278 = tpu.vector_load_idx %arg5[%shift_right_logical3A_272] : memref<16xf32, #tpu.memory_space<vmem>>[vector<16xi32>], vector<16xf32>,
    %gather3A_279 = tpu.vector_load_idx %arg5[%and3A_275] : memref<16xf32, #tpu.memory_space<vmem>>[vector<16xi32>], vector<16xf32>,
    %mul3A_280 = arith.mulf %gather3A_278, %gather3A_279 : vector<16xf32>
    %sub3A_281 = arith.constant 1.000000e+00 : f32
    %sub3A_282 = vector.broadcast %sub3A_281 : f32 to vector<16xf32>
    %sub3A_283 = arith.subf %sub3A_282, %get3A_277 : vector<16xf32>
    %bitcast_convert_type3A_284 = tpu.bitcast %sub3A_283 : vector<16xf32> -> vector<16xi32>
    %convert_element_type3A_285 = arith.sitofp %bitcast_convert_type3A_284 : vector<16xi32> to vector<16xf32>
    %mul3A_286 = arith.constant 2.000000e-01 : f32
    %mul3A_287 = vector.broadcast %mul3A_286 : f32 to vector<16xf32>
    %mul3A_288 = arith.mulf %convert_element_type3A_285, %mul3A_287 : vector<16xf32>
    %add3A_289 = arith.constant 8.519800e+08 : f32
    %add3A_290 = vector.broadcast %add3A_289 : f32 to vector<16xf32>
    %add3A_291 = arith.addf %mul3A_288, %add3A_290 : vector<16xf32>
    %convert_element_type3A_292 = arith.fptosi %add3A_291 : vector<16xf32> to vector<16xi32>
    %bitcast_convert_type3A_293 = tpu.bitcast %convert_element_type3A_292 : vector<16xi32> -> vector<16xf32>
    %mul3A_294 = arith.mulf %bitcast_convert_type3A_293, %bitcast_convert_type3A_293 : vector<16xf32>
    %mul3A_295 = arith.mulf %bitcast_convert_type3A_293, %bitcast_convert_type3A_293 : vector<16xf32>
    %mul3A_296 = arith.mulf %mul3A_294, %mul3A_295 : vector<16xf32>
    %mul3A_297 = arith.constant 8.000000e-01 : f32
    %mul3A_298 = vector.broadcast %mul3A_297 : f32 to vector<16xf32>
    %mul3A_299 = arith.mulf %mul3A_298, %bitcast_convert_type3A_293 : vector<16xf32>
    %div3A_300 = arith.divf %sub3A_283, %mul3A_296 : vector<16xf32>
    %mul3A_301 = arith.constant 2.000000e-01 : f32
    %mul3A_302 = vector.broadcast %mul3A_301 : f32 to vector<16xf32>
    %mul3A_303 = arith.mulf %mul3A_302, %div3A_300 : vector<16xf32>
    %add3A_304 = arith.addf %mul3A_299, %mul3A_303 : vector<16xf32>
    %mul3A_305 = arith.mulf %add3A_304, %add3A_304 : vector<16xf32>
    %mul3A_306 = arith.mulf %add3A_304, %add3A_304 : vector<16xf32>
    %mul3A_307 = arith.mulf %mul3A_305, %mul3A_306 : vector<16xf32>
    %mul3A_308 = arith.constant 8.000000e-01 : f32
    %mul3A_309 = vector.broadcast %mul3A_308 : f32 to vector<16xf32>
    %mul3A_310 = arith.mulf %mul3A_309, %add3A_304 : vector<16xf32>
    %div3A_311 = arith.divf %sub3A_283, %mul3A_307 : vector<16xf32>
    %mul3A_312 = arith.constant 2.000000e-01 : f32
    %mul3A_313 = vector.broadcast %mul3A_312 : f32 to vector<16xf32>
    %mul3A_314 = arith.mulf %mul3A_313, %div3A_311 : vector<16xf32>
    %add3A_315 = arith.addf %mul3A_310, %mul3A_314 : vector<16xf32>
    %mul3A_316 = arith.mulf %add3A_315, %add3A_315 : vector<16xf32>
    %mul3A_317 = arith.mulf %add3A_315, %add3A_315 : vector<16xf32>
    %mul3A_318 = arith.mulf %mul3A_316, %mul3A_317 : vector<16xf32>
    %mul3A_319 = arith.constant 8.000000e-01 : f32
    %mul3A_320 = vector.broadcast %mul3A_319 : f32 to vector<16xf32>
    %mul3A_321 = arith.mulf %mul3A_320, %add3A_315 : vector<16xf32>
    %div3A_322 = arith.divf %sub3A_283, %mul3A_318 : vector<16xf32>
    %mul3A_323 = arith.constant 2.000000e-01 : f32
    %mul3A_324 = vector.broadcast %mul3A_323 : f32 to vector<16xf32>
    %mul3A_325 = arith.mulf %mul3A_324, %div3A_322 : vector<16xf32>
    %add3A_326 = arith.addf %mul3A_321, %mul3A_325 : vector<16xf32>
    %sub3A_327 = arith.constant 1.000000e+00 : f32
    %sub3A_328 = vector.broadcast %sub3A_327 : f32 to vector<16xf32>
    %sub3A_329 = arith.subf %sub3A_328, %add3A_326 : vector<16xf32>
    %add3A_330 = arith.constant 9.99999993E-9 : f32
    %add3A_331 = vector.broadcast %add3A_330 : f32 to vector<16xf32>
    %add3A_332 = arith.addf %mul3A_280, %add3A_331 : vector<16xf32>
    %div3A_333 = arith.divf %sub3A_329, %add3A_332 : vector<16xf32>
    %jit3A_334 = arith.constant 0.000000e+00 : f32
    %jit3A_335 = arith.constant 1.000000e+00 : f32
    %max3A_336 = vector.broadcast %jit3A_334 : f32 to vector<16xf32>
    %max3A_337 = arith.maximumf %max3A_336, %div3A_333 : vector<16xf32>
    %min3A_338 = vector.broadcast %jit3A_335 : f32 to vector<16xf32>
    %min3A_339 = arith.minimumf %min3A_338, %max3A_337 : vector<16xf32>
    %sub3A_340 = arith.constant 1.000000e+00 : f32
    %sub3A_341 = vector.broadcast %sub3A_340 : f32 to vector<16xf32>
    %sub3A_342 = arith.subf %sub3A_341, %mul3A_280 : vector<16xf32>
    %mul3A_343 = arith.mulf %sub3A_342, %sub3A_342 : vector<16xf32>
    %mul3A_344 = arith.mulf %mul3A_343, %mul3A_343 : vector<16xf32>
    %mul3A_345 = arith.mulf %mul3A_344, %sub3A_342 : vector<16xf32>
    %add3A_346 = arith.constant 9.99999993E-9 : f32
    %add3A_347 = vector.broadcast %add3A_346 : f32 to vector<16xf32>
    %add3A_348 = arith.addf %mul3A_345, %add3A_347 : vector<16xf32>
    %div3A_349 = arith.divf %sub3A_283, %add3A_348 : vector<16xf32>
    %sub3A_350 = arith.constant 1.000000e+00 : f32
    %sub3A_351 = vector.broadcast %sub3A_350 : f32 to vector<16xf32>
    %sub3A_352 = arith.subf %sub3A_351, %div3A_349 : vector<16xf32>
    %jit3A_353 = arith.constant 0.000000e+00 : f32
    %jit3A_354 = arith.constant 1.000000e+00 : f32
    %max3A_355 = vector.broadcast %jit3A_353 : f32 to vector<16xf32>
    %max3A_356 = arith.maximumf %max3A_355, %sub3A_352 : vector<16xf32>
    %min3A_357 = vector.broadcast %jit3A_354 : f32 to vector<16xf32>
    %min3A_358 = arith.minimumf %min3A_357, %max3A_356 : vector<16xf32>
    %swap3A_359 = arith.constant 32 : index
    %swap3A_360 = tpu.vector_load %arg7[%swap3A_359] {strides = array<i32>} : memref<64xf32, #tpu.memory_space<vmem>>, vector<16xf32>,
    tpu.vector_store %arg7[%swap3A_359], %min3A_339 {strides = array<i32>} : memref<64xf32, #tpu.memory_space<vmem>>, vector<16xf32>,
    %swap3A_361 = arith.constant 32 : index
    %swap3A_362 = tpu.vector_load %arg8[%swap3A_361] {strides = array<i32>} : memref<64xf32, #tpu.memory_space<vmem>>, vector<16xf32>,
    tpu.vector_store %arg8[%swap3A_361], %min3A_358 {strides = array<i32>} : memref<64xf32, #tpu.memory_space<vmem>>, vector<16xf32>,
    %reduce_sum3A_363 = arith.constant true
    %reduce_sum3A_364 = vector.broadcast %reduce_sum3A_363 : i1 to vector<16xi1>
    %reduce_sum3A_365 = tpu.scan <sum>, %get3A_277 masked %reduce_sum3A_364 : vector<16xf32>, vector<16xi1> -> vector<16xf32>
    %reduce_sum3A_366 = vector.extract %reduce_sum3A_365[15] : f32 from vector<16xf32>
    %broadcast_in_dim3A_367 = arith.constant 1.000000e+00 : f32
    %broadcast_in_dim3A_368 = vector.broadcast %broadcast_in_dim3A_367 : f32 to vector<16xf32>
    %mul3A_369 = vector.broadcast %reduce_sum3A_366 : f32 to vector<16xf32>
    %mul3A_370 = arith.mulf %mul3A_369, %broadcast_in_dim3A_368 : vector<16xf32>
    %add3A_371 = arith.addf %add3A_253, %mul3A_370 : vector<16xf32>
    %eq3A_372 = arith.cmpi eq, %shift_right_logical3A_272, %and3A_275 : vector<16xi32>
    %jit3A_373 = arith.constant 0.000000e+00 : f32
    %broadcast_in_dim3A_374 = vector.broadcast %jit3A_373 : f32 to vector<16xf32>
    %select_n3A_375 = arith.select %eq3A_372, %get3A_277, %broadcast_in_dim3A_374 : vector<16xi1>, vector<16xf32>
    %reduce_sum3A_376 = arith.constant true
    %reduce_sum3A_377 = vector.broadcast %reduce_sum3A_376 : i1 to vector<16xi1>
    %reduce_sum3A_378 = tpu.scan <sum>, %select_n3A_375 masked %reduce_sum3A_377 : vector<16xf32>, vector<16xi1> -> vector<16xf32>
    %reduce_sum3A_379 = vector.extract %reduce_sum3A_378[15] : f32 from vector<16xf32>
    %broadcast_in_dim3A_380 = arith.constant 1.000000e+00 : f32
    %broadcast_in_dim3A_381 = vector.broadcast %broadcast_in_dim3A_380 : f32 to vector<16xf32>
    %mul3A_382 = vector.broadcast %reduce_sum3A_379 : f32 to vector<16xf32>
    %mul3A_383 = arith.mulf %mul3A_382, %broadcast_in_dim3A_381 : vector<16xf32>
    %add3A_384 = arith.addf %add3A_266, %mul3A_383 : vector<16xf32>
    %add3A_385 = arith.constant 48 : i32
    %add3A_386 = vector.broadcast %add3A_385 : i32 to vector<16xi32>
    %add3A_387 = arith.addi %add3A_386, %iota3A : vector<16xi32>
    %shift_right_logical3A_388 = arith.constant 3 : i32
    %shift_right_logical3A_389 = vector.broadcast %shift_right_logical3A_388 : i32 to vector<16xi32>
    %shift_right_logical3A_390 = arith.shrui %add3A_387, %shift_right_logical3A_389 : vector<16xi32>
    %and3A_391 = arith.constant 7 : i32
    %and3A_392 = vector.broadcast %and3A_391 : i32 to vector<16xi32>
    %and3A_393 = arith.andi %add3A_387, %and3A_392 : vector<16xi32>
    %get3A_394 = arith.constant 64 : index
    %get3A_395 = tpu.vector_load %arg4[%get3A_394] {strides = array<i32>} : memref<80xf32, #tpu.memory_space<vmem>>, vector<16xf32>,
    %gather3A_396 = tpu.vector_load_idx %arg5[%shift_right_logical3A_390] : memref<16xf32, #tpu.memory_space<vmem>>[vector<16xi32>], vector<16xf32>,
    %gather3A_397 = tpu.vector_load_idx %arg5[%and3A_393] : memref<16xf32, #tpu.memory_space<vmem>>[vector<16xi32>], vector<16xf32>,
    %mul3A_398 = arith.mulf %gather3A_396, %gather3A_397 : vector<16xf32>
    %sub3A_399 = arith.constant 1.000000e+00 : f32
    %sub3A_400 = vector.broadcast %sub3A_399 : f32 to vector<16xf32>
    %sub3A_401 = arith.subf %sub3A_400, %get3A_395 : vector<16xf32>
    %bitcast_convert_type3A_402 = tpu.bitcast %sub3A_401 : vector<16xf32> -> vector<16xi32>
    %convert_element_type3A_403 = arith.sitofp %bitcast_convert_type3A_402 : vector<16xi32> to vector<16xf32>
    %mul3A_404 = arith.constant 2.000000e-01 : f32
    %mul3A_405 = vector.broadcast %mul3A_404 : f32 to vector<16xf32>
    %mul3A_406 = arith.mulf %convert_element_type3A_403, %mul3A_405 : vector<16xf32>
    %add3A_407 = arith.constant 8.519800e+08 : f32
    %add3A_408 = vector.broadcast %add3A_407 : f32 to vector<16xf32>
    %add3A_409 = arith.addf %mul3A_406, %add3A_408 : vector<16xf32>
    %convert_element_type3A_410 = arith.fptosi %add3A_409 : vector<16xf32> to vector<16xi32>
    %bitcast_convert_type3A_411 = tpu.bitcast %convert_element_type3A_410 : vector<16xi32> -> vector<16xf32>
    %mul3A_412 = arith.mulf %bitcast_convert_type3A_411, %bitcast_convert_type3A_411 : vector<16xf32>
    %mul3A_413 = arith.mulf %bitcast_convert_type3A_411, %bitcast_convert_type3A_411 : vector<16xf32>
    %mul3A_414 = arith.mulf %mul3A_412, %mul3A_413 : vector<16xf32>
    %mul3A_415 = arith.constant 8.000000e-01 : f32
    %mul3A_416 = vector.broadcast %mul3A_415 : f32 to vector<16xf32>
    %mul3A_417 = arith.mulf %mul3A_416, %bitcast_convert_type3A_411 : vector<16xf32>
    %div3A_418 = arith.divf %sub3A_401, %mul3A_414 : vector<16xf32>
    %mul3A_419 = arith.constant 2.000000e-01 : f32
    %mul3A_420 = vector.broadcast %mul3A_419 : f32 to vector<16xf32>
    %mul3A_421 = arith.mulf %mul3A_420, %div3A_418 : vector<16xf32>
    %add3A_422 = arith.addf %mul3A_417, %mul3A_421 : vector<16xf32>
    %mul3A_423 = arith.mulf %add3A_422, %add3A_422 : vector<16xf32>
    %mul3A_424 = arith.mulf %add3A_422, %add3A_422 : vector<16xf32>
    %mul3A_425 = arith.mulf %mul3A_423, %mul3A_424 : vector<16xf32>
    %mul3A_426 = arith.constant 8.000000e-01 : f32
    %mul3A_427 = vector.broadcast %mul3A_426 : f32 to vector<16xf32>
    %mul3A_428 = arith.mulf %mul3A_427, %add3A_422 : vector<16xf32>
    %div3A_429 = arith.divf %sub3A_401, %mul3A_425 : vector<16xf32>
    %mul3A_430 = arith.constant 2.000000e-01 : f32
    %mul3A_431 = vector.broadcast %mul3A_430 : f32 to vector<16xf32>
    %mul3A_432 = arith.mulf %mul3A_431, %div3A_429 : vector<16xf32>
    %add3A_433 = arith.addf %mul3A_428, %mul3A_432 : vector<16xf32>
    %mul3A_434 = arith.mulf %add3A_433, %add3A_433 : vector<16xf32>
    %mul3A_435 = arith.mulf %add3A_433, %add3A_433 : vector<16xf32>
    %mul3A_436 = arith.mulf %mul3A_434, %mul3A_435 : vector<16xf32>
    %mul3A_437 = arith.constant 8.000000e-01 : f32
    %mul3A_438 = vector.broadcast %mul3A_437 : f32 to vector<16xf32>
    %mul3A_439 = arith.mulf %mul3A_438, %add3A_433 : vector<16xf32>
    %div3A_440 = arith.divf %sub3A_401, %mul3A_436 : vector<16xf32>
    %mul3A_441 = arith.constant 2.000000e-01 : f32
    %mul3A_442 = vector.broadcast %mul3A_441 : f32 to vector<16xf32>
    %mul3A_443 = arith.mulf %mul3A_442, %div3A_440 : vector<16xf32>
    %add3A_444 = arith.addf %mul3A_439, %mul3A_443 : vector<16xf32>
    %sub3A_445 = arith.constant 1.000000e+00 : f32
    %sub3A_446 = vector.broadcast %sub3A_445 : f32 to vector<16xf32>
    %sub3A_447 = arith.subf %sub3A_446, %add3A_444 : vector<16xf32>
    %add3A_448 = arith.constant 9.99999993E-9 : f32
    %add3A_449 = vector.broadcast %add3A_448 : f32 to vector<16xf32>
    %add3A_450 = arith.addf %mul3A_398, %add3A_449 : vector<16xf32>
    %div3A_451 = arith.divf %sub3A_447, %add3A_450 : vector<16xf32>
    %jit3A_452 = arith.constant 0.000000e+00 : f32
    %jit3A_453 = arith.constant 1.000000e+00 : f32
    %max3A_454 = vector.broadcast %jit3A_452 : f32 to vector<16xf32>
    %max3A_455 = arith.maximumf %max3A_454, %div3A_451 : vector<16xf32>
    %min3A_456 = vector.broadcast %jit3A_453 : f32 to vector<16xf32>
    %min3A_457 = arith.minimumf %min3A_456, %max3A_455 : vector<16xf32>
    %sub3A_458 = arith.constant 1.000000e+00 : f32
    %sub3A_459 = vector.broadcast %sub3A_458 : f32 to vector<16xf32>
    %sub3A_460 = arith.subf %sub3A_459, %mul3A_398 : vector<16xf32>
    %mul3A_461 = arith.mulf %sub3A_460, %sub3A_460 : vector<16xf32>
    %mul3A_462 = arith.mulf %mul3A_461, %mul3A_461 : vector<16xf32>
    %mul3A_463 = arith.mulf %mul3A_462, %sub3A_460 : vector<16xf32>
    %add3A_464 = arith.constant 9.99999993E-9 : f32
    %add3A_465 = vector.broadcast %add3A_464 : f32 to vector<16xf32>
    %add3A_466 = arith.addf %mul3A_463, %add3A_465 : vector<16xf32>
    %div3A_467 = arith.divf %sub3A_401, %add3A_466 : vector<16xf32>
    %sub3A_468 = arith.constant 1.000000e+00 : f32
    %sub3A_469 = vector.broadcast %sub3A_468 : f32 to vector<16xf32>
    %sub3A_470 = arith.subf %sub3A_469, %div3A_467 : vector<16xf32>
    %jit3A_471 = arith.constant 0.000000e+00 : f32
    %jit3A_472 = arith.constant 1.000000e+00 : f32
    %max3A_473 = vector.broadcast %jit3A_471 : f32 to vector<16xf32>
    %max3A_474 = arith.maximumf %max3A_473, %sub3A_470 : vector<16xf32>
    %min3A_475 = vector.broadcast %jit3A_472 : f32 to vector<16xf32>
    %min3A_476 = arith.minimumf %min3A_475, %max3A_474 : vector<16xf32>
    %swap3A_477 = arith.constant 48 : index
    %swap3A_478 = tpu.vector_load %arg7[%swap3A_477] {strides = array<i32>} : memref<64xf32, #tpu.memory_space<vmem>>, vector<16xf32>,
    tpu.vector_store %arg7[%swap3A_477], %min3A_457 {strides = array<i32>} : memref<64xf32, #tpu.memory_space<vmem>>, vector<16xf32>,
    %swap3A_479 = arith.constant 48 : index
    %swap3A_480 = tpu.vector_load %arg8[%swap3A_479] {strides = array<i32>} : memref<64xf32, #tpu.memory_space<vmem>>, vector<16xf32>,
    tpu.vector_store %arg8[%swap3A_479], %min3A_476 {strides = array<i32>} : memref<64xf32, #tpu.memory_space<vmem>>, vector<16xf32>,
    %reduce_sum3A_481 = arith.constant true
    %reduce_sum3A_482 = vector.broadcast %reduce_sum3A_481 : i1 to vector<16xi1>
    %reduce_sum3A_483 = tpu.scan <sum>, %get3A_395 masked %reduce_sum3A_482 : vector<16xf32>, vector<16xi1> -> vector<16xf32>
    %reduce_sum3A_484 = vector.extract %reduce_sum3A_483[15] : f32 from vector<16xf32>
    %broadcast_in_dim3A_485 = arith.constant 1.000000e+00 : f32
    %broadcast_in_dim3A_486 = vector.broadcast %broadcast_in_dim3A_485 : f32 to vector<16xf32>
    %mul3A_487 = vector.broadcast %reduce_sum3A_484 : f32 to vector<16xf32>
    %mul3A_488 = arith.mulf %mul3A_487, %broadcast_in_dim3A_486 : vector<16xf32>
    %add3A_489 = arith.addf %add3A_371, %mul3A_488 : vector<16xf32>
    %eq3A_490 = arith.cmpi eq, %shift_right_logical3A_390, %and3A_393 : vector<16xi32>
    %jit3A_491 = arith.constant 0.000000e+00 : f32
    %broadcast_in_dim3A_492 = vector.broadcast %jit3A_491 : f32 to vector<16xf32>
    %select_n3A_493 = arith.select %eq3A_490, %get3A_395, %broadcast_in_dim3A_492 : vector<16xi1>, vector<16xf32>
    %reduce_sum3A_494 = arith.constant true
    %reduce_sum3A_495 = vector.broadcast %reduce_sum3A_494 : i1 to vector<16xi1>
    %reduce_sum3A_496 = tpu.scan <sum>, %select_n3A_493 masked %reduce_sum3A_495 : vector<16xf32>, vector<16xi1> -> vector<16xf32>
    %reduce_sum3A_497 = vector.extract %reduce_sum3A_496[15] : f32 from vector<16xf32>
    %broadcast_in_dim3A_498 = arith.constant 1.000000e+00 : f32
    %broadcast_in_dim3A_499 = vector.broadcast %broadcast_in_dim3A_498 : f32 to vector<16xf32>
    %mul3A_500 = vector.broadcast %reduce_sum3A_497 : f32 to vector<16xf32>
    %mul3A_501 = arith.mulf %mul3A_500, %broadcast_in_dim3A_499 : vector<16xf32>
    %add3A_502 = arith.addf %add3A_384, %mul3A_501 : vector<16xf32>
    %mul3A_503 = arith.constant 6.553600e+04 : f32
    %mul3A_504 = vector.broadcast %mul3A_503 : f32 to vector<16xf32>
    %mul3A_505 = arith.mulf %mul3A_504, %add3A_489 : vector<16xf32>
    %mul3A_506 = arith.constant 2.560000e+02 : f32
    %mul3A_507 = vector.broadcast %mul3A_506 : f32 to vector<16xf32>
    %mul3A_508 = arith.mulf %mul3A_507, %add3A_502 : vector<16xf32>
    %sub3A_509 = arith.subf %mul3A_505, %mul3A_508 : vector<16xf32>
    %mul3A_510 = arith.constant 5.000000e-01 : f32
    %mul3A_511 = vector.broadcast %mul3A_510 : f32 to vector<16xf32>
    %mul3A_512 = arith.mulf %mul3A_511, %sub3A_509 : vector<16xf32>
    %min3A_513 = arith.constant 7 : i32
    %min3A_514 = arith.minsi %arg1, %min3A_513 : i32
    %broadcast_in_dim3A_515 = arith.constant 1 : i32
    %broadcast_in_dim3A_516 = vector.broadcast %broadcast_in_dim3A_515 : i32 to vector<16xi32>
    %mul3A_517 = vector.broadcast %min3A_514 : i32 to vector<16xi32>
    %mul3A_518 = arith.muli %mul3A_517, %broadcast_in_dim3A_516 : vector<16xi32>
    %mul3A_519 = arith.constant 8 : i32
    %mul3A_520 = arith.muli %min3A_514, %mul3A_519 : i32
    %add3A_521 = vector.broadcast %mul3A_520 : i32 to vector<16xi32>
    %add3A_522 = arith.addi %add3A_521, %and3A_2 : vector<16xi32>
    %gather3A_523 = tpu.vector_load_idx %arg7[%add3A_522] : memref<64xf32, #tpu.memory_space<vmem>>[vector<16xi32>], vector<16xf32>,
    %lt3A_524 = arith.constant 8 : i32
    %lt3A_525 = vector.broadcast %lt3A_524 : i32 to vector<16xi32>
    %lt3A_526 = arith.cmpi slt, %iota3A, %lt3A_525 : vector<16xi32>
    %jit3A_527 = arith.constant -1.000000e+00 : f32
    %broadcast_in_dim3A_528 = vector.broadcast %jit3A_527 : f32 to vector<16xf32>
    %select_n3A_529 = arith.select %lt3A_526, %gather3A_523, %broadcast_in_dim3A_528 : vector<16xi1>, vector<16xf32>
    %eq3A_530 = arith.cmpi eq, %iota3A, %mul3A_518 : vector<16xi32>
    %select_n3A_531 = arith.select %eq3A_530, %mul3A_32, %mul3A_33 : vector<16xi1>, vector<16xf32>
    %lt3A_532 = arith.constant 8 : i32
    %lt3A_533 = vector.broadcast %lt3A_532 : i32 to vector<16xi32>
    %lt3A_534 = arith.cmpi slt, %iota3A, %lt3A_533 : vector<16xi32>
    %jit3A_535 = arith.constant 1.000000e+00 : f32
    %broadcast_in_dim3A_536 = vector.broadcast %jit3A_535 : f32 to vector<16xf32>
    %select_n3A_537 = arith.select %lt3A_534, %select_n3A_531, %broadcast_in_dim3A_536 : vector<16xi1>, vector<16xf32>
    %masked_sort3A = arith.constant dense<true> : vector<16xi1>
    %masked_sort3A_538, %masked_sort3A_539, %masked_sort3A_540 = tpu.sort %select_n3A_529, %select_n3A_537 masked %masked_sort3A {descending = true} : (vector<16xf32>, vector<16xf32>, vector<16xi1>) -> (vector<16xi1>, vector<16xf32>, vector<16xf32>)
    %swap3A_541 = arith.constant 0 : index
    %swap3A_542 = tpu.vector_load %arg9[%swap3A_541] {strides = array<i32>} : memref<16xf32, #tpu.memory_space<vmem>>, vector<16xf32>,
    tpu.vector_store %arg9[%swap3A_541], %masked_sort3A_540 {strides = array<i32>} : memref<16xf32, #tpu.memory_space<vmem>>, vector<16xf32>,
    %sub3A_543 = arith.constant 1 : i32
    %sub3A_544 = vector.broadcast %sub3A_543 : i32 to vector<16xi32>
    %sub3A_545 = arith.subi %iota3A, %sub3A_544 : vector<16xi32>
    %max3A_546 = arith.constant 0 : i32
    %max3A_547 = vector.broadcast %max3A_546 : i32 to vector<16xi32>
    %max3A_548 = arith.maxsi %sub3A_545, %max3A_547 : vector<16xi32>
    %gather3A_549 = tpu.vector_load_idx %arg9[%max3A_548] : memref<16xf32, #tpu.memory_space<vmem>>[vector<16xi32>], vector<16xf32>,
    %ge3A = arith.constant 1 : i32
    %ge3A_550 = vector.broadcast %ge3A : i32 to vector<16xi32>
    %ge3A_551 = arith.cmpi sge, %iota3A, %ge3A_550 : vector<16xi32>
    %jit3A_552 = arith.constant 1.000000e+00 : f32
    %broadcast_in_dim3A_553 = vector.broadcast %jit3A_552 : f32 to vector<16xf32>
    %select_n3A_554 = arith.select %ge3A_551, %gather3A_549, %broadcast_in_dim3A_553 : vector<16xi1>, vector<16xf32>
    %mul3A_555 = arith.mulf %masked_sort3A_540, %select_n3A_554 : vector<16xf32>
    %swap3A_556 = arith.constant 0 : index
    %swap3A_557 = tpu.vector_load %arg9[%swap3A_556] {strides = array<i32>} : memref<16xf32, #tpu.memory_space<vmem>>, vector<16xf32>,
    tpu.vector_store %arg9[%swap3A_556], %mul3A_555 {strides = array<i32>} : memref<16xf32, #tpu.memory_space<vmem>>, vector<16xf32>,
    %sub3A_558 = arith.constant 2 : i32
    %sub3A_559 = vector.broadcast %sub3A_558 : i32 to vector<16xi32>
    %sub3A_560 = arith.subi %iota3A, %sub3A_559 : vector<16xi32>
    %max3A_561 = arith.constant 0 : i32
    %max3A_562 = vector.broadcast %max3A_561 : i32 to vector<16xi32>
    %max3A_563 = arith.maxsi %sub3A_560, %max3A_562 : vector<16xi32>
    %gather3A_564 = tpu.vector_load_idx %arg9[%max3A_563] : memref<16xf32, #tpu.memory_space<vmem>>[vector<16xi32>], vector<16xf32>,
    %ge3A_565 = arith.constant 2 : i32
    %ge3A_566 = vector.broadcast %ge3A_565 : i32 to vector<16xi32>
    %ge3A_567 = arith.cmpi sge, %iota3A, %ge3A_566 : vector<16xi32>
    %jit3A_568 = arith.constant 1.000000e+00 : f32
    %broadcast_in_dim3A_569 = vector.broadcast %jit3A_568 : f32 to vector<16xf32>
    %select_n3A_570 = arith.select %ge3A_567, %gather3A_564, %broadcast_in_dim3A_569 : vector<16xi1>, vector<16xf32>
    %mul3A_571 = arith.mulf %mul3A_555, %select_n3A_570 : vector<16xf32>
    %swap3A_572 = arith.constant 0 : index
    %swap3A_573 = tpu.vector_load %arg9[%swap3A_572] {strides = array<i32>} : memref<16xf32, #tpu.memory_space<vmem>>, vector<16xf32>,
    tpu.vector_store %arg9[%swap3A_572], %mul3A_571 {strides = array<i32>} : memref<16xf32, #tpu.memory_space<vmem>>, vector<16xf32>,
    %sub3A_574 = arith.constant 4 : i32
    %sub3A_575 = vector.broadcast %sub3A_574 : i32 to vector<16xi32>
    %sub3A_576 = arith.subi %iota3A, %sub3A_575 : vector<16xi32>
    %max3A_577 = arith.constant 0 : i32
    %max3A_578 = vector.broadcast %max3A_577 : i32 to vector<16xi32>
    %max3A_579 = arith.maxsi %sub3A_576, %max3A_578 : vector<16xi32>
    %gather3A_580 = tpu.vector_load_idx %arg9[%max3A_579] : memref<16xf32, #tpu.memory_space<vmem>>[vector<16xi32>], vector<16xf32>,
    %ge3A_581 = arith.constant 4 : i32
    %ge3A_582 = vector.broadcast %ge3A_581 : i32 to vector<16xi32>
    %ge3A_583 = arith.cmpi sge, %iota3A, %ge3A_582 : vector<16xi32>
    %jit3A_584 = arith.constant 1.000000e+00 : f32
    %broadcast_in_dim3A_585 = vector.broadcast %jit3A_584 : f32 to vector<16xf32>
    %select_n3A_586 = arith.select %ge3A_583, %gather3A_580, %broadcast_in_dim3A_585 : vector<16xi1>, vector<16xf32>
    %mul3A_587 = arith.mulf %mul3A_571, %select_n3A_586 : vector<16xf32>
    %swap3A_588 = arith.constant 0 : index
    %swap3A_589 = tpu.vector_load %arg9[%swap3A_588] {strides = array<i32>} : memref<16xf32, #tpu.memory_space<vmem>>, vector<16xf32>,
    tpu.vector_store %arg9[%swap3A_588], %mul3A_587 {strides = array<i32>} : memref<16xf32, #tpu.memory_space<vmem>>, vector<16xf32>,
    %sub3A_590 = arith.constant 1 : i32
    %sub3A_591 = vector.broadcast %sub3A_590 : i32 to vector<16xi32>
    %sub3A_592 = arith.subi %iota3A, %sub3A_591 : vector<16xi32>
    %max3A_593 = arith.constant 0 : i32
    %max3A_594 = vector.broadcast %max3A_593 : i32 to vector<16xi32>
    %max3A_595 = arith.maxsi %sub3A_592, %max3A_594 : vector<16xi32>
    %gather3A_596 = tpu.vector_load_idx %arg9[%max3A_595] : memref<16xf32, #tpu.memory_space<vmem>>[vector<16xi32>], vector<16xf32>,
    %ge3A_597 = arith.constant 1 : i32
    %ge3A_598 = vector.broadcast %ge3A_597 : i32 to vector<16xi32>
    %ge3A_599 = arith.cmpi sge, %iota3A, %ge3A_598 : vector<16xi32>
    %jit3A_600 = arith.constant 1.000000e+00 : f32
    %broadcast_in_dim3A_601 = vector.broadcast %jit3A_600 : f32 to vector<16xf32>
    %select_n3A_602 = arith.select %ge3A_599, %gather3A_596, %broadcast_in_dim3A_601 : vector<16xi1>, vector<16xf32>
    %lt3A_603 = arith.constant 8 : i32
    %lt3A_604 = vector.broadcast %lt3A_603 : i32 to vector<16xi32>
    %lt3A_605 = arith.cmpi slt, %iota3A, %lt3A_604 : vector<16xi32>
    %sub3A_606 = arith.subf %select_n3A_602, %mul3A_587 : vector<16xf32>
    %mul3A_607 = arith.mulf %masked_sort3A_539, %sub3A_606 : vector<16xf32>
    %jit3A_608 = arith.constant 0.000000e+00 : f32
    %broadcast_in_dim3A_609 = vector.broadcast %jit3A_608 : f32 to vector<16xf32>
    %select_n3A_610 = arith.select %lt3A_605, %mul3A_607, %broadcast_in_dim3A_609 : vector<16xi1>, vector<16xf32>
    %gather3A_611 = tpu.vector_load_idx %arg5[%mul3A_518] : memref<16xf32, #tpu.memory_space<vmem>>[vector<16xi32>], vector<16xf32>,
    %reduce_sum3A_612 = arith.constant true
    %reduce_sum3A_613 = vector.broadcast %reduce_sum3A_612 : i1 to vector<16xi1>
    %reduce_sum3A_614 = tpu.scan <sum>, %select_n3A_610 masked %reduce_sum3A_613 : vector<16xf32>, vector<16xi1> -> vector<16xf32>
    %reduce_sum3A_615 = vector.extract %reduce_sum3A_614[15] : f32 from vector<16xf32>
    %broadcast_in_dim3A_616 = arith.constant 1.000000e+00 : f32
    %broadcast_in_dim3A_617 = vector.broadcast %broadcast_in_dim3A_616 : f32 to vector<16xf32>
    %mul3A_618 = vector.broadcast %reduce_sum3A_615 : f32 to vector<16xf32>
    %mul3A_619 = arith.mulf %mul3A_618, %broadcast_in_dim3A_617 : vector<16xf32>
    %mul3A_620 = arith.mulf %gather3A_611, %mul3A_619 : vector<16xf32>
    %sub3A_621 = arith.constant 1.000000e+00 : f32
    %sub3A_622 = vector.broadcast %sub3A_621 : f32 to vector<16xf32>
    %sub3A_623 = arith.subf %sub3A_622, %mul3A_620 : vector<16xf32>
    %mul3A_624 = arith.mulf %sub3A_623, %sub3A_623 : vector<16xf32>
    %mul3A_625 = arith.mulf %mul3A_624, %mul3A_624 : vector<16xf32>
    %mul3A_626 = arith.mulf %mul3A_625, %sub3A_623 : vector<16xf32>
    %gather3A_627 = tpu.vector_load_idx %arg8[%add3A_522] : memref<64xf32, #tpu.memory_space<vmem>>[vector<16xi32>], vector<16xf32>,
    %sub3A_628 = arith.constant 1.000000e+00 : f32
    %sub3A_629 = vector.broadcast %sub3A_628 : f32 to vector<16xf32>
    %sub3A_630 = arith.subf %sub3A_629, %gather3A_627 : vector<16xf32>
    %lt3A_631 = arith.constant 8 : i32
    %lt3A_632 = vector.broadcast %lt3A_631 : i32 to vector<16xi32>
    %lt3A_633 = arith.cmpi slt, %iota3A, %lt3A_632 : vector<16xi32>
    %jit3A_634 = arith.constant 1.000000e+00 : f32
    %broadcast_in_dim3A_635 = vector.broadcast %jit3A_634 : f32 to vector<16xf32>
    %select_n3A_636 = arith.select %lt3A_633, %sub3A_630, %broadcast_in_dim3A_635 : vector<16xi1>, vector<16xf32>
    %swap3A_637 = arith.constant 0 : index
    %swap3A_638 = tpu.vector_load %arg10[%swap3A_637] {strides = array<i32>} : memref<16xf32, #tpu.memory_space<vmem>>, vector<16xf32>,
    tpu.vector_store %arg10[%swap3A_637], %select_n3A_636 {strides = array<i32>} : memref<16xf32, #tpu.memory_space<vmem>>, vector<16xf32>,
    %eq3A_639 = arith.cmpi eq, %iota3A, %mul3A_518 : vector<16xi32>
    %jit3A_640 = arith.constant 1.000000e+00 : f32
    %broadcast_in_dim3A_641 = vector.broadcast %jit3A_640 : f32 to vector<16xf32>
    %select_n3A_642 = arith.select %eq3A_639, %broadcast_in_dim3A_641, %select_n3A_636 : vector<16xi1>, vector<16xf32>
    %swap3A_643 = arith.constant 0 : index
    %swap3A_644 = tpu.vector_load %arg9[%swap3A_643] {strides = array<i32>} : memref<16xf32, #tpu.memory_space<vmem>>, vector<16xf32>,
    tpu.vector_store %arg9[%swap3A_643], %select_n3A_642 {strides = array<i32>} : memref<16xf32, #tpu.memory_space<vmem>>, vector<16xf32>,
    %sub3A_645 = arith.constant 1 : i32
    %sub3A_646 = vector.broadcast %sub3A_645 : i32 to vector<16xi32>
    %sub3A_647 = arith.subi %iota3A, %sub3A_646 : vector<16xi32>
    %max3A_648 = arith.constant 0 : i32
    %max3A_649 = vector.broadcast %max3A_648 : i32 to vector<16xi32>
    %max3A_650 = arith.maxsi %sub3A_647, %max3A_649 : vector<16xi32>
    %gather3A_651 = tpu.vector_load_idx %arg9[%max3A_650] : memref<16xf32, #tpu.memory_space<vmem>>[vector<16xi32>], vector<16xf32>,
    %ge3A_652 = arith.constant 1 : i32
    %ge3A_653 = vector.broadcast %ge3A_652 : i32 to vector<16xi32>
    %ge3A_654 = arith.cmpi sge, %iota3A, %ge3A_653 : vector<16xi32>
    %jit3A_655 = arith.constant 1.000000e+00 : f32
    %broadcast_in_dim3A_656 = vector.broadcast %jit3A_655 : f32 to vector<16xf32>
    %select_n3A_657 = arith.select %ge3A_654, %gather3A_651, %broadcast_in_dim3A_656 : vector<16xi1>, vector<16xf32>
    %mul3A_658 = arith.mulf %select_n3A_642, %select_n3A_657 : vector<16xf32>
    %swap3A_659 = arith.constant 0 : index
    %swap3A_660 = tpu.vector_load %arg9[%swap3A_659] {strides = array<i32>} : memref<16xf32, #tpu.memory_space<vmem>>, vector<16xf32>,
    tpu.vector_store %arg9[%swap3A_659], %mul3A_658 {strides = array<i32>} : memref<16xf32, #tpu.memory_space<vmem>>, vector<16xf32>,
    %sub3A_661 = arith.constant 2 : i32
    %sub3A_662 = vector.broadcast %sub3A_661 : i32 to vector<16xi32>
    %sub3A_663 = arith.subi %iota3A, %sub3A_662 : vector<16xi32>
    %max3A_664 = arith.constant 0 : i32
    %max3A_665 = vector.broadcast %max3A_664 : i32 to vector<16xi32>
    %max3A_666 = arith.maxsi %sub3A_663, %max3A_665 : vector<16xi32>
    %gather3A_667 = tpu.vector_load_idx %arg9[%max3A_666] : memref<16xf32, #tpu.memory_space<vmem>>[vector<16xi32>], vector<16xf32>,
    %ge3A_668 = arith.constant 2 : i32
    %ge3A_669 = vector.broadcast %ge3A_668 : i32 to vector<16xi32>
    %ge3A_670 = arith.cmpi sge, %iota3A, %ge3A_669 : vector<16xi32>
    %jit3A_671 = arith.constant 1.000000e+00 : f32
    %broadcast_in_dim3A_672 = vector.broadcast %jit3A_671 : f32 to vector<16xf32>
    %select_n3A_673 = arith.select %ge3A_670, %gather3A_667, %broadcast_in_dim3A_672 : vector<16xi1>, vector<16xf32>
    %mul3A_674 = arith.mulf %mul3A_658, %select_n3A_673 : vector<16xf32>
    %swap3A_675 = arith.constant 0 : index
    %swap3A_676 = tpu.vector_load %arg9[%swap3A_675] {strides = array<i32>} : memref<16xf32, #tpu.memory_space<vmem>>, vector<16xf32>,
    tpu.vector_store %arg9[%swap3A_675], %mul3A_674 {strides = array<i32>} : memref<16xf32, #tpu.memory_space<vmem>>, vector<16xf32>,
    %sub3A_677 = arith.constant 4 : i32
    %sub3A_678 = vector.broadcast %sub3A_677 : i32 to vector<16xi32>
    %sub3A_679 = arith.subi %iota3A, %sub3A_678 : vector<16xi32>
    %max3A_680 = arith.constant 0 : i32
    %max3A_681 = vector.broadcast %max3A_680 : i32 to vector<16xi32>
    %max3A_682 = arith.maxsi %sub3A_679, %max3A_681 : vector<16xi32>
    %gather3A_683 = tpu.vector_load_idx %arg9[%max3A_682] : memref<16xf32, #tpu.memory_space<vmem>>[vector<16xi32>], vector<16xf32>,
    %ge3A_684 = arith.constant 4 : i32
    %ge3A_685 = vector.broadcast %ge3A_684 : i32 to vector<16xi32>
    %ge3A_686 = arith.cmpi sge, %iota3A, %ge3A_685 : vector<16xi32>
    %jit3A_687 = arith.constant 1.000000e+00 : f32
    %broadcast_in_dim3A_688 = vector.broadcast %jit3A_687 : f32 to vector<16xf32>
    %select_n3A_689 = arith.select %ge3A_686, %gather3A_683, %broadcast_in_dim3A_688 : vector<16xi1>, vector<16xf32>
    %mul3A_690 = arith.mulf %mul3A_674, %select_n3A_689 : vector<16xf32>
    %swap3A_691 = arith.constant 0 : index
    %swap3A_692 = tpu.vector_load %arg9[%swap3A_691] {strides = array<i32>} : memref<16xf32, #tpu.memory_space<vmem>>, vector<16xf32>,
    tpu.vector_store %arg9[%swap3A_691], %mul3A_690 {strides = array<i32>} : memref<16xf32, #tpu.memory_space<vmem>>, vector<16xf32>,
    %broadcast_in_dim3A_693 = arith.constant 7 : i32
    %broadcast_in_dim3A_694 = vector.broadcast %broadcast_in_dim3A_693 : i32 to vector<16xi32>
    %gather3A_695 = tpu.vector_load_idx %arg9[%broadcast_in_dim3A_694] : memref<16xf32, #tpu.memory_space<vmem>>[vector<16xi32>], vector<16xf32>,
    %mul3A_696 = arith.mulf %gather3A_695, %gather3A_695 : vector<16xf32>
    %mul3A_697 = arith.mulf %mul3A_696, %mul3A_696 : vector<16xf32>
    %mul3A_698 = arith.mulf %mul3A_697, %mul3A_697 : vector<16xf32>
    %mul3A_699 = arith.mulf %mul3A_698, %mul3A_698 : vector<16xf32>
    %mul3A_700 = arith.mulf %mul3A_699, %mul3A_699 : vector<16xf32>
    %mul3A_701 = arith.mulf %mul3A_700, %mul3A_700 : vector<16xf32>
    %mul3A_702 = arith.mulf %mul3A_701, %mul3A_701 : vector<16xf32>
    %mul3A_703 = arith.mulf %mul3A_702, %mul3A_702 : vector<16xf32>
    %gather3A_704 = tpu.vector_load_idx %arg10[%mul3A_518] : memref<16xf32, #tpu.memory_space<vmem>>[vector<16xi32>], vector<16xf32>,
    %mul3A_705 = arith.mulf %gather3A_704, %gather3A_704 : vector<16xf32>
    %mul3A_706 = arith.mulf %mul3A_705, %mul3A_705 : vector<16xf32>
    %mul3A_707 = arith.mulf %mul3A_706, %mul3A_706 : vector<16xf32>
    %mul3A_708 = arith.mulf %mul3A_707, %mul3A_707 : vector<16xf32>
    %mul3A_709 = arith.mulf %mul3A_708, %mul3A_708 : vector<16xf32>
    %mul3A_710 = arith.mulf %mul3A_709, %mul3A_709 : vector<16xf32>
    %mul3A_711 = arith.mulf %mul3A_710, %mul3A_710 : vector<16xf32>
    %mul3A_712 = arith.mulf %gather3A_704, %mul3A_705 : vector<16xf32>
    %mul3A_713 = arith.mulf %mul3A_706, %mul3A_707 : vector<16xf32>
    %mul3A_714 = arith.mulf %mul3A_712, %mul3A_713 : vector<16xf32>
    %mul3A_715 = arith.mulf %mul3A_708, %mul3A_709 : vector<16xf32>
    %mul3A_716 = arith.mulf %mul3A_710, %mul3A_711 : vector<16xf32>
    %mul3A_717 = arith.mulf %mul3A_715, %mul3A_716 : vector<16xf32>
    %mul3A_718 = arith.mulf %mul3A_714, %mul3A_717 : vector<16xf32>
    %mul3A_719 = arith.mulf %mul3A_703, %mul3A_718 : vector<16xf32>
    %mul3A_720 = arith.mulf %mul3A_626, %mul3A_719 : vector<16xf32>
    %mul3A_721 = arith.constant 2 : i32
    %mul3A_722 = arith.muli %mul3A_721, %arg1 : i32
    %mul3A_723 = arith.constant 16 : i32
    %mul3A_724 = arith.muli %mul3A_722, %mul3A_723 : i32
    %add3A_725 = vector.broadcast %mul3A_724 : i32 to vector<16xi32>
    %add3A_726 = arith.addi %add3A_725, %iota3A : vector<16xi32>
    %shift_right_logical3A_727 = arith.constant 6 : i32
    %shift_right_logical3A_728 = vector.broadcast %shift_right_logical3A_727 : i32 to vector<16xi32>
    %shift_right_logical3A_729 = arith.shrui %add3A_726, %shift_right_logical3A_728 : vector<16xi32>
    %shift_right_logical3A_730 = arith.constant 3 : i32
    %shift_right_logical3A_731 = vector.broadcast %shift_right_logical3A_730 : i32 to vector<16xi32>
    %shift_right_logical3A_732 = arith.shrui %add3A_726, %shift_right_logical3A_731 : vector<16xi32>
    %and3A_733 = arith.constant 7 : i32
    %and3A_734 = vector.broadcast %and3A_733 : i32 to vector<16xi32>
    %and3A_735 = arith.andi %shift_right_logical3A_732, %and3A_734 : vector<16xi32>
    %and3A_736 = arith.constant 7 : i32
    %and3A_737 = vector.broadcast %and3A_736 : i32 to vector<16xi32>
    %and3A_738 = arith.andi %add3A_726, %and3A_737 : vector<16xi32>
    %mul3A_739 = arith.constant 8 : i32
    %mul3A_740 = vector.broadcast %mul3A_739 : i32 to vector<16xi32>
    %mul3A_741 = arith.muli %shift_right_logical3A_729, %mul3A_740 : vector<16xi32>
    %add3A_742 = arith.addi %mul3A_741, %and3A_735 : vector<16xi32>
    %gather3A_743 = tpu.vector_load_idx %arg7[%add3A_742] : memref<64xf32, #tpu.memory_space<vmem>>[vector<16xi32>], vector<16xf32>,
    %mul3A_744 = arith.constant 8 : i32
    %mul3A_745 = vector.broadcast %mul3A_744 : i32 to vector<16xi32>
    %mul3A_746 = arith.muli %shift_right_logical3A_729, %mul3A_745 : vector<16xi32>
    %add3A_747 = arith.addi %mul3A_746, %and3A_738 : vector<16xi32>
    %gather3A_748 = tpu.vector_load_idx %arg7[%add3A_747] : memref<64xf32, #tpu.memory_space<vmem>>[vector<16xi32>], vector<16xf32>,
    %mul3A_749 = arith.constant 8 : i32
    %mul3A_750 = vector.broadcast %mul3A_749 : i32 to vector<16xi32>
    %mul3A_751 = arith.muli %and3A_735, %mul3A_750 : vector<16xi32>
    %add3A_752 = arith.addi %mul3A_751, %and3A_738 : vector<16xi32>
    %gather3A_753 = tpu.vector_load_idx %arg7[%add3A_752] : memref<64xf32, #tpu.memory_space<vmem>>[vector<16xi32>], vector<16xf32>,
    %mul3A_754 = arith.constant 8 : i32
    %mul3A_755 = vector.broadcast %mul3A_754 : i32 to vector<16xi32>
    %mul3A_756 = arith.muli %shift_right_logical3A_729, %mul3A_755 : vector<16xi32>
    %add3A_757 = arith.addi %mul3A_756, %and3A_735 : vector<16xi32>
    %gather3A_758 = tpu.vector_load_idx %arg8[%add3A_757] : memref<64xf32, #tpu.memory_space<vmem>>[vector<16xi32>], vector<16xf32>,
    %mul3A_759 = arith.constant 8 : i32
    %mul3A_760 = vector.broadcast %mul3A_759 : i32 to vector<16xi32>
    %mul3A_761 = arith.muli %shift_right_logical3A_729, %mul3A_760 : vector<16xi32>
    %add3A_762 = arith.addi %mul3A_761, %and3A_738 : vector<16xi32>
    %gather3A_763 = tpu.vector_load_idx %arg8[%add3A_762] : memref<64xf32, #tpu.memory_space<vmem>>[vector<16xi32>], vector<16xf32>,
    %mul3A_764 = arith.constant 8 : i32
    %mul3A_765 = vector.broadcast %mul3A_764 : i32 to vector<16xi32>
    %mul3A_766 = arith.muli %and3A_735, %mul3A_765 : vector<16xi32>
    %add3A_767 = arith.addi %mul3A_766, %and3A_738 : vector<16xi32>
    %gather3A_768 = tpu.vector_load_idx %arg8[%add3A_767] : memref<64xf32, #tpu.memory_space<vmem>>[vector<16xi32>], vector<16xf32>,
    %gather3A_769 = tpu.vector_load_idx %arg5[%and3A_738] : memref<16xf32, #tpu.memory_space<vmem>>[vector<16xi32>], vector<16xf32>,
    %gather3A_770 = tpu.vector_load_idx %arg5[%and3A_735] : memref<16xf32, #tpu.memory_space<vmem>>[vector<16xi32>], vector<16xf32>,
    %gather3A_771 = tpu.vector_load_idx %arg5[%shift_right_logical3A_729] : memref<16xf32, #tpu.memory_space<vmem>>[vector<16xi32>], vector<16xf32>,
    %gather3A_772 = tpu.vector_load_idx %arg6[%shift_right_logical3A_729] : memref<16xf32, #tpu.memory_space<vmem>>[vector<16xi32>], vector<16xf32>,
    %gather3A_773 = tpu.vector_load_idx %arg6[%and3A_735] : memref<16xf32, #tpu.memory_space<vmem>>[vector<16xi32>], vector<16xf32>,
    %mul3A_774 = arith.mulf %gather3A_772, %gather3A_773 : vector<16xf32>
    %gather3A_775 = tpu.vector_load_idx %arg6[%and3A_738] : memref<16xf32, #tpu.memory_space<vmem>>[vector<16xi32>], vector<16xf32>,
    %mul3A_776 = arith.mulf %mul3A_774, %gather3A_775 : vector<16xf32>
    %lt3A_777 = arith.cmpf olt, %gather3A_748, %gather3A_743 : vector<16xf32>
    %convert_element_type3A_778 = arith.extui %lt3A_777 : vector<16xi1> to vector<16xi32>
    %lt3A_779 = arith.cmpf olt, %gather3A_753, %gather3A_743 : vector<16xf32>
    %convert_element_type3A_780 = arith.extui %lt3A_779 : vector<16xi1> to vector<16xi32>
    %add3A_781 = arith.addi %convert_element_type3A_778, %convert_element_type3A_780 : vector<16xi32>
    %le3A = arith.cmpf ole, %gather3A_743, %gather3A_748 : vector<16xf32>
    %convert_element_type3A_782 = arith.extui %le3A : vector<16xi1> to vector<16xi32>
    %lt3A_783 = arith.cmpf olt, %gather3A_753, %gather3A_748 : vector<16xf32>
    %convert_element_type3A_784 = arith.extui %lt3A_783 : vector<16xi1> to vector<16xi32>
    %add3A_785 = arith.addi %convert_element_type3A_782, %convert_element_type3A_784 : vector<16xi32>
    %le3A_786 = arith.cmpf ole, %gather3A_743, %gather3A_753 : vector<16xf32>
    %convert_element_type3A_787 = arith.extui %le3A_786 : vector<16xi1> to vector<16xi32>
    %le3A_788 = arith.cmpf ole, %gather3A_748, %gather3A_753 : vector<16xf32>
    %convert_element_type3A_789 = arith.extui %le3A_788 : vector<16xi1> to vector<16xi32>
    %add3A_790 = arith.addi %convert_element_type3A_787, %convert_element_type3A_789 : vector<16xi32>
    %eq3A_791 = arith.constant 0 : i32
    %eq3A_792 = vector.broadcast %eq3A_791 : i32 to vector<16xi32>
    %eq3A_793 = arith.cmpi eq, %add3A_781, %eq3A_792 : vector<16xi32>
    %eq3A_794 = arith.constant 0 : i32
    %eq3A_795 = vector.broadcast %eq3A_794 : i32 to vector<16xi32>
    %eq3A_796 = arith.cmpi eq, %add3A_785, %eq3A_795 : vector<16xi32>
    %select_n3A_797 = arith.select %eq3A_796, %gather3A_748, %gather3A_753 : vector<16xi1>, vector<16xf32>
    %select_n3A_798 = arith.select %eq3A_793, %gather3A_743, %select_n3A_797 : vector<16xi1>, vector<16xf32>
    %eq3A_799 = arith.constant 1 : i32
    %eq3A_800 = vector.broadcast %eq3A_799 : i32 to vector<16xi32>
    %eq3A_801 = arith.cmpi eq, %add3A_781, %eq3A_800 : vector<16xi32>
    %eq3A_802 = arith.constant 1 : i32
    %eq3A_803 = vector.broadcast %eq3A_802 : i32 to vector<16xi32>
    %eq3A_804 = arith.cmpi eq, %add3A_785, %eq3A_803 : vector<16xi32>
    %select_n3A_805 = arith.select %eq3A_804, %gather3A_748, %gather3A_753 : vector<16xi1>, vector<16xf32>
    %select_n3A_806 = arith.select %eq3A_801, %gather3A_743, %select_n3A_805 : vector<16xi1>, vector<16xf32>
    %eq3A_807 = arith.constant 2 : i32
    %eq3A_808 = vector.broadcast %eq3A_807 : i32 to vector<16xi32>
    %eq3A_809 = arith.cmpi eq, %add3A_781, %eq3A_808 : vector<16xi32>
    %eq3A_810 = arith.constant 2 : i32
    %eq3A_811 = vector.broadcast %eq3A_810 : i32 to vector<16xi32>
    %eq3A_812 = arith.cmpi eq, %add3A_785, %eq3A_811 : vector<16xi32>
    %select_n3A_813 = arith.select %eq3A_812, %gather3A_748, %gather3A_753 : vector<16xi1>, vector<16xf32>
    %select_n3A_814 = arith.select %eq3A_809, %gather3A_743, %select_n3A_813 : vector<16xi1>, vector<16xf32>
    %eq3A_815 = arith.constant 0 : i32
    %eq3A_816 = vector.broadcast %eq3A_815 : i32 to vector<16xi32>
    %eq3A_817 = arith.cmpi eq, %add3A_781, %eq3A_816 : vector<16xi32>
    %eq3A_818 = arith.constant 0 : i32
    %eq3A_819 = vector.broadcast %eq3A_818 : i32 to vector<16xi32>
    %eq3A_820 = arith.cmpi eq, %add3A_785, %eq3A_819 : vector<16xi32>
    %select_n3A_821 = arith.select %eq3A_820, %gather3A_763, %gather3A_768 : vector<16xi1>, vector<16xf32>
    %select_n3A_822 = arith.select %eq3A_817, %gather3A_758, %select_n3A_821 : vector<16xi1>, vector<16xf32>
    %eq3A_823 = arith.constant 1 : i32
    %eq3A_824 = vector.broadcast %eq3A_823 : i32 to vector<16xi32>
    %eq3A_825 = arith.cmpi eq, %add3A_781, %eq3A_824 : vector<16xi32>
    %eq3A_826 = arith.constant 1 : i32
    %eq3A_827 = vector.broadcast %eq3A_826 : i32 to vector<16xi32>
    %eq3A_828 = arith.cmpi eq, %add3A_785, %eq3A_827 : vector<16xi32>
    %select_n3A_829 = arith.select %eq3A_828, %gather3A_763, %gather3A_768 : vector<16xi1>, vector<16xf32>
    %select_n3A_830 = arith.select %eq3A_825, %gather3A_758, %select_n3A_829 : vector<16xi1>, vector<16xf32>
    %eq3A_831 = arith.constant 2 : i32
    %eq3A_832 = vector.broadcast %eq3A_831 : i32 to vector<16xi32>
    %eq3A_833 = arith.cmpi eq, %add3A_781, %eq3A_832 : vector<16xi32>
    %eq3A_834 = arith.constant 2 : i32
    %eq3A_835 = vector.broadcast %eq3A_834 : i32 to vector<16xi32>
    %eq3A_836 = arith.cmpi eq, %add3A_785, %eq3A_835 : vector<16xi32>
    %select_n3A_837 = arith.select %eq3A_836, %gather3A_763, %gather3A_768 : vector<16xi1>, vector<16xf32>
    %select_n3A_838 = arith.select %eq3A_833, %gather3A_758, %select_n3A_837 : vector<16xi1>, vector<16xf32>
    %eq3A_839 = arith.constant 0 : i32
    %eq3A_840 = vector.broadcast %eq3A_839 : i32 to vector<16xi32>
    %eq3A_841 = arith.cmpi eq, %add3A_781, %eq3A_840 : vector<16xi32>
    %eq3A_842 = arith.constant 0 : i32
    %eq3A_843 = vector.broadcast %eq3A_842 : i32 to vector<16xi32>
    %eq3A_844 = arith.cmpi eq, %add3A_785, %eq3A_843 : vector<16xi32>
    %select_n3A_845 = arith.select %eq3A_844, %gather3A_770, %gather3A_771 : vector<16xi1>, vector<16xf32>
    %select_n3A_846 = arith.select %eq3A_841, %gather3A_769, %select_n3A_845 : vector<16xi1>, vector<16xf32>
    %eq3A_847 = arith.constant 1 : i32
    %eq3A_848 = vector.broadcast %eq3A_847 : i32 to vector<16xi32>
    %eq3A_849 = arith.cmpi eq, %add3A_781, %eq3A_848 : vector<16xi32>
    %eq3A_850 = arith.constant 1 : i32
    %eq3A_851 = vector.broadcast %eq3A_850 : i32 to vector<16xi32>
    %eq3A_852 = arith.cmpi eq, %add3A_785, %eq3A_851 : vector<16xi32>
    %select_n3A_853 = arith.select %eq3A_852, %gather3A_770, %gather3A_771 : vector<16xi1>, vector<16xf32>
    %select_n3A_854 = arith.select %eq3A_849, %gather3A_769, %select_n3A_853 : vector<16xi1>, vector<16xf32>
    %eq3A_855 = arith.constant 2 : i32
    %eq3A_856 = vector.broadcast %eq3A_855 : i32 to vector<16xi32>
    %eq3A_857 = arith.cmpi eq, %add3A_781, %eq3A_856 : vector<16xi32>
    %eq3A_858 = arith.constant 2 : i32
    %eq3A_859 = vector.broadcast %eq3A_858 : i32 to vector<16xi32>
    %eq3A_860 = arith.cmpi eq, %add3A_785, %eq3A_859 : vector<16xi32>
    %select_n3A_861 = arith.select %eq3A_860, %gather3A_770, %gather3A_771 : vector<16xi1>, vector<16xf32>
    %select_n3A_862 = arith.select %eq3A_857, %gather3A_769, %select_n3A_861 : vector<16xi1>, vector<16xf32>
    %mul3A_863 = arith.mulf %select_n3A_862, %select_n3A_854 : vector<16xf32>
    %mul3A_864 = arith.mulf %mul3A_863, %select_n3A_846 : vector<16xf32>
    %sub3A_865 = arith.constant 1.000000e+00 : f32
    %sub3A_866 = vector.broadcast %sub3A_865 : f32 to vector<16xf32>
    %sub3A_867 = arith.subf %sub3A_866, %select_n3A_862 : vector<16xf32>
    %mul3A_868 = arith.mulf %sub3A_867, %select_n3A_854 : vector<16xf32>
    %mul3A_869 = arith.mulf %mul3A_868, %select_n3A_846 : vector<16xf32>
    %sub3A_870 = arith.constant 1.000000e+00 : f32
    %sub3A_871 = vector.broadcast %sub3A_870 : f32 to vector<16xf32>
    %sub3A_872 = arith.subf %sub3A_871, %select_n3A_854 : vector<16xf32>
    %mul3A_873 = arith.mulf %select_n3A_862, %sub3A_872 : vector<16xf32>
    %mul3A_874 = arith.mulf %mul3A_873, %select_n3A_846 : vector<16xf32>
    %mul3A_875 = arith.mulf %select_n3A_862, %select_n3A_854 : vector<16xf32>
    %sub3A_876 = arith.constant 1.000000e+00 : f32
    %sub3A_877 = vector.broadcast %sub3A_876 : f32 to vector<16xf32>
    %sub3A_878 = arith.subf %sub3A_877, %select_n3A_846 : vector<16xf32>
    %mul3A_879 = arith.mulf %mul3A_875, %sub3A_878 : vector<16xf32>
    %mul3A_880 = arith.mulf %mul3A_864, %select_n3A_798 : vector<16xf32>
    %sub3A_881 = arith.subf %select_n3A_806, %select_n3A_798 : vector<16xf32>
    %mul3A_882 = arith.mulf %mul3A_864, %sub3A_881 : vector<16xf32>
    %sub3A_883 = arith.subf %select_n3A_814, %select_n3A_806 : vector<16xf32>
    %mul3A_884 = arith.mulf %mul3A_864, %sub3A_883 : vector<16xf32>
    %mul3A_885 = arith.mulf %mul3A_869, %select_n3A_814 : vector<16xf32>
    %add3A_886 = arith.addf %mul3A_884, %mul3A_885 : vector<16xf32>
    %mul3A_887 = arith.mulf %mul3A_874, %select_n3A_806 : vector<16xf32>
    %mul3A_888 = arith.mulf %mul3A_879, %select_n3A_798 : vector<16xf32>
    %sub3A_889 = arith.constant 1.000000e+00 : f32
    %sub3A_890 = vector.broadcast %sub3A_889 : f32 to vector<16xf32>
    %sub3A_891 = arith.subf %sub3A_890, %mul3A_880 : vector<16xf32>
    %sub3A_892 = arith.subf %sub3A_891, %mul3A_882 : vector<16xf32>
    %sub3A_893 = arith.subf %sub3A_892, %add3A_886 : vector<16xf32>
    %sub3A_894 = arith.subf %sub3A_893, %mul3A_887 : vector<16xf32>
    %sub3A_895 = arith.subf %sub3A_894, %mul3A_888 : vector<16xf32>
    %mul3A_896 = arith.mulf %sub3A_895, %sub3A_895 : vector<16xf32>
    %mul3A_897 = arith.mulf %mul3A_896, %mul3A_896 : vector<16xf32>
    %mul3A_898 = arith.mulf %mul3A_897, %sub3A_895 : vector<16xf32>
    %add3A_899 = arith.addf %sub3A_895, %add3A_886 : vector<16xf32>
    %mul3A_900 = arith.mulf %add3A_899, %add3A_899 : vector<16xf32>
    %mul3A_901 = arith.mulf %mul3A_900, %mul3A_900 : vector<16xf32>
    %mul3A_902 = arith.mulf %mul3A_901, %add3A_899 : vector<16xf32>
    %add3A_903 = arith.addf %sub3A_895, %mul3A_887 : vector<16xf32>
    %mul3A_904 = arith.mulf %add3A_903, %add3A_903 : vector<16xf32>
    %mul3A_905 = arith.mulf %mul3A_904, %mul3A_904 : vector<16xf32>
    %mul3A_906 = arith.mulf %mul3A_905, %add3A_903 : vector<16xf32>
    %add3A_907 = arith.addf %sub3A_895, %mul3A_888 : vector<16xf32>
    %mul3A_908 = arith.mulf %add3A_907, %add3A_907 : vector<16xf32>
    %mul3A_909 = arith.mulf %mul3A_908, %mul3A_908 : vector<16xf32>
    %mul3A_910 = arith.mulf %mul3A_909, %add3A_907 : vector<16xf32>
    %add3A_911 = arith.addf %sub3A_895, %add3A_886 : vector<16xf32>
    %add3A_912 = arith.addf %add3A_911, %mul3A_887 : vector<16xf32>
    %add3A_913 = arith.addf %add3A_912, %mul3A_882 : vector<16xf32>
    %mul3A_914 = arith.mulf %add3A_913, %add3A_913 : vector<16xf32>
    %mul3A_915 = arith.mulf %mul3A_914, %mul3A_914 : vector<16xf32>
    %mul3A_916 = arith.mulf %mul3A_915, %add3A_913 : vector<16xf32>
    %add3A_917 = arith.addf %sub3A_895, %add3A_886 : vector<16xf32>
    %add3A_918 = arith.addf %add3A_917, %mul3A_888 : vector<16xf32>
    %mul3A_919 = arith.mulf %add3A_918, %add3A_918 : vector<16xf32>
    %mul3A_920 = arith.mulf %mul3A_919, %mul3A_919 : vector<16xf32>
    %mul3A_921 = arith.mulf %mul3A_920, %add3A_918 : vector<16xf32>
    %add3A_922 = arith.addf %sub3A_895, %mul3A_887 : vector<16xf32>
    %add3A_923 = arith.addf %add3A_922, %mul3A_888 : vector<16xf32>
    %mul3A_924 = arith.mulf %add3A_923, %add3A_923 : vector<16xf32>
    %mul3A_925 = arith.mulf %mul3A_924, %mul3A_924 : vector<16xf32>
    %mul3A_926 = arith.mulf %mul3A_925, %add3A_923 : vector<16xf32>
    %sub3A_927 = arith.constant 1.000000e+00 : f32
    %sub3A_928 = vector.broadcast %sub3A_927 : f32 to vector<16xf32>
    %sub3A_929 = arith.subf %sub3A_928, %select_n3A_838 : vector<16xf32>
    %sub3A_930 = arith.constant 1.000000e+00 : f32
    %sub3A_931 = vector.broadcast %sub3A_930 : f32 to vector<16xf32>
    %sub3A_932 = arith.subf %sub3A_931, %select_n3A_830 : vector<16xf32>
    %sub3A_933 = arith.constant 1.000000e+00 : f32
    %sub3A_934 = vector.broadcast %sub3A_933 : f32 to vector<16xf32>
    %sub3A_935 = arith.subf %sub3A_934, %select_n3A_822 : vector<16xf32>
    %mul3A_936 = arith.mulf %mul3A_898, %sub3A_929 : vector<16xf32>
    %mul3A_937 = arith.mulf %mul3A_936, %sub3A_932 : vector<16xf32>
    %mul3A_938 = arith.mulf %mul3A_937, %sub3A_935 : vector<16xf32>
    %mul3A_939 = arith.mulf %mul3A_898, %select_n3A_838 : vector<16xf32>
    %mul3A_940 = arith.mulf %mul3A_939, %sub3A_932 : vector<16xf32>
    %mul3A_941 = arith.mulf %mul3A_940, %sub3A_935 : vector<16xf32>
    %sub3A_942 = arith.subf %mul3A_902, %mul3A_898 : vector<16xf32>
    %mul3A_943 = arith.mulf %sub3A_942, %sub3A_932 : vector<16xf32>
    %mul3A_944 = arith.mulf %mul3A_943, %sub3A_935 : vector<16xf32>
    %add3A_945 = arith.addf %mul3A_941, %mul3A_944 : vector<16xf32>
    %mul3A_946 = arith.mulf %mul3A_898, %select_n3A_830 : vector<16xf32>
    %mul3A_947 = arith.mulf %mul3A_946, %sub3A_935 : vector<16xf32>
    %mul3A_948 = arith.mulf %mul3A_947, %sub3A_929 : vector<16xf32>
    %sub3A_949 = arith.subf %mul3A_906, %mul3A_898 : vector<16xf32>
    %mul3A_950 = arith.mulf %sub3A_949, %sub3A_935 : vector<16xf32>
    %mul3A_951 = arith.mulf %mul3A_950, %sub3A_929 : vector<16xf32>
    %add3A_952 = arith.addf %mul3A_948, %mul3A_951 : vector<16xf32>
    %mul3A_953 = arith.mulf %mul3A_898, %select_n3A_822 : vector<16xf32>
    %mul3A_954 = arith.mulf %mul3A_953, %sub3A_929 : vector<16xf32>
    %mul3A_955 = arith.mulf %mul3A_954, %sub3A_932 : vector<16xf32>
    %sub3A_956 = arith.subf %mul3A_910, %mul3A_898 : vector<16xf32>
    %mul3A_957 = arith.mulf %sub3A_956, %sub3A_929 : vector<16xf32>
    %mul3A_958 = arith.mulf %mul3A_957, %sub3A_932 : vector<16xf32>
    %add3A_959 = arith.addf %mul3A_955, %mul3A_958 : vector<16xf32>
    %mul3A_960 = arith.mulf %mul3A_898, %select_n3A_838 : vector<16xf32>
    %mul3A_961 = arith.mulf %mul3A_960, %select_n3A_830 : vector<16xf32>
    %mul3A_962 = arith.mulf %mul3A_961, %sub3A_935 : vector<16xf32>
    %sub3A_963 = arith.subf %mul3A_902, %mul3A_898 : vector<16xf32>
    %mul3A_964 = arith.mulf %sub3A_963, %select_n3A_830 : vector<16xf32>
    %mul3A_965 = arith.mulf %mul3A_964, %sub3A_935 : vector<16xf32>
    %add3A_966 = arith.addf %mul3A_962, %mul3A_965 : vector<16xf32>
    %sub3A_967 = arith.subf %mul3A_906, %mul3A_898 : vector<16xf32>
    %mul3A_968 = arith.mulf %sub3A_967, %select_n3A_838 : vector<16xf32>
    %mul3A_969 = arith.mulf %mul3A_968, %sub3A_935 : vector<16xf32>
    %add3A_970 = arith.addf %add3A_966, %mul3A_969 : vector<16xf32>
    %sub3A_971 = arith.subf %mul3A_916, %mul3A_902 : vector<16xf32>
    %sub3A_972 = arith.subf %sub3A_971, %mul3A_906 : vector<16xf32>
    %add3A_973 = arith.addf %sub3A_972, %mul3A_898 : vector<16xf32>
    %mul3A_974 = arith.mulf %add3A_973, %sub3A_935 : vector<16xf32>
    %add3A_975 = arith.addf %add3A_970, %mul3A_974 : vector<16xf32>
    %mul3A_976 = arith.mulf %mul3A_898, %select_n3A_838 : vector<16xf32>
    %mul3A_977 = arith.mulf %mul3A_976, %select_n3A_822 : vector<16xf32>
    %mul3A_978 = arith.mulf %mul3A_977, %sub3A_932 : vector<16xf32>
    %sub3A_979 = arith.subf %mul3A_902, %mul3A_898 : vector<16xf32>
    %mul3A_980 = arith.mulf %sub3A_979, %select_n3A_822 : vector<16xf32>
    %mul3A_981 = arith.mulf %mul3A_980, %sub3A_932 : vector<16xf32>
    %add3A_982 = arith.addf %mul3A_978, %mul3A_981 : vector<16xf32>
    %sub3A_983 = arith.subf %mul3A_910, %mul3A_898 : vector<16xf32>
    %mul3A_984 = arith.mulf %sub3A_983, %select_n3A_838 : vector<16xf32>
    %mul3A_985 = arith.mulf %mul3A_984, %sub3A_932 : vector<16xf32>
    %add3A_986 = arith.addf %add3A_982, %mul3A_985 : vector<16xf32>
    %sub3A_987 = arith.subf %mul3A_921, %mul3A_902 : vector<16xf32>
    %sub3A_988 = arith.subf %sub3A_987, %mul3A_910 : vector<16xf32>
    %add3A_989 = arith.addf %sub3A_988, %mul3A_898 : vector<16xf32>
    %mul3A_990 = arith.mulf %add3A_989, %sub3A_932 : vector<16xf32>
    %add3A_991 = arith.addf %add3A_986, %mul3A_990 : vector<16xf32>
    %mul3A_992 = arith.mulf %mul3A_898, %select_n3A_830 : vector<16xf32>
    %mul3A_993 = arith.mulf %mul3A_992, %select_n3A_822 : vector<16xf32>
    %mul3A_994 = arith.mulf %mul3A_993, %sub3A_929 : vector<16xf32>
    %sub3A_995 = arith.subf %mul3A_906, %mul3A_898 : vector<16xf32>
    %mul3A_996 = arith.mulf %sub3A_995, %select_n3A_822 : vector<16xf32>
    %mul3A_997 = arith.mulf %mul3A_996, %sub3A_929 : vector<16xf32>
    %add3A_998 = arith.addf %mul3A_994, %mul3A_997 : vector<16xf32>
    %sub3A_999 = arith.subf %mul3A_910, %mul3A_898 : vector<16xf32>
    %mul3A_1000 = arith.mulf %sub3A_999, %select_n3A_830 : vector<16xf32>
    %mul3A_1001 = arith.mulf %mul3A_1000, %sub3A_929 : vector<16xf32>
    %add3A_1002 = arith.addf %add3A_998, %mul3A_1001 : vector<16xf32>
    %sub3A_1003 = arith.subf %mul3A_926, %mul3A_906 : vector<16xf32>
    %sub3A_1004 = arith.subf %sub3A_1003, %mul3A_910 : vector<16xf32>
    %add3A_1005 = arith.addf %sub3A_1004, %mul3A_898 : vector<16xf32>
    %mul3A_1006 = arith.mulf %add3A_1005, %sub3A_929 : vector<16xf32>
    %add3A_1007 = arith.addf %add3A_1002, %mul3A_1006 : vector<16xf32>
    %sub3A_1008 = arith.constant 1.000000e+00 : f32
    %sub3A_1009 = vector.broadcast %sub3A_1008 : f32 to vector<16xf32>
    %sub3A_1010 = arith.subf %sub3A_1009, %mul3A_938 : vector<16xf32>
    %sub3A_1011 = arith.subf %sub3A_1010, %add3A_945 : vector<16xf32>
    %sub3A_1012 = arith.subf %sub3A_1011, %add3A_952 : vector<16xf32>
    %sub3A_1013 = arith.subf %sub3A_1012, %add3A_959 : vector<16xf32>
    %sub3A_1014 = arith.subf %sub3A_1013, %add3A_975 : vector<16xf32>
    %sub3A_1015 = arith.subf %sub3A_1014, %add3A_991 : vector<16xf32>
    %sub3A_1016 = arith.subf %sub3A_1015, %add3A_1007 : vector<16xf32>
    %add3A_1017 = arith.addf %add3A_975, %add3A_991 : vector<16xf32>
    %add3A_1018 = arith.addf %add3A_1017, %add3A_1007 : vector<16xf32>
    %mul3A_1019 = arith.mulf %add3A_1018, %mul3A_776 : vector<16xf32>
    %mul3A_1020 = arith.mulf %sub3A_1016, %mul3A_776 : vector<16xf32>
    %mul3A_1021 = arith.constant 2 : i32
    %mul3A_1022 = arith.muli %mul3A_1021, %arg1 : i32
    %add3A_1023 = arith.constant 1 : i32
    %add3A_1024 = arith.addi %mul3A_1022, %add3A_1023 : i32
    %mul3A_1025 = arith.constant 16 : i32
    %mul3A_1026 = arith.muli %add3A_1024, %mul3A_1025 : i32
    %add3A_1027 = vector.broadcast %mul3A_1026 : i32 to vector<16xi32>
    %add3A_1028 = arith.addi %add3A_1027, %iota3A : vector<16xi32>
    %shift_right_logical3A_1029 = arith.constant 6 : i32
    %shift_right_logical3A_1030 = vector.broadcast %shift_right_logical3A_1029 : i32 to vector<16xi32>
    %shift_right_logical3A_1031 = arith.shrui %add3A_1028, %shift_right_logical3A_1030 : vector<16xi32>
    %shift_right_logical3A_1032 = arith.constant 3 : i32
    %shift_right_logical3A_1033 = vector.broadcast %shift_right_logical3A_1032 : i32 to vector<16xi32>
    %shift_right_logical3A_1034 = arith.shrui %add3A_1028, %shift_right_logical3A_1033 : vector<16xi32>
    %and3A_1035 = arith.constant 7 : i32
    %and3A_1036 = vector.broadcast %and3A_1035 : i32 to vector<16xi32>
    %and3A_1037 = arith.andi %shift_right_logical3A_1034, %and3A_1036 : vector<16xi32>
    %and3A_1038 = arith.constant 7 : i32
    %and3A_1039 = vector.broadcast %and3A_1038 : i32 to vector<16xi32>
    %and3A_1040 = arith.andi %add3A_1028, %and3A_1039 : vector<16xi32>
    %mul3A_1041 = arith.constant 8 : i32
    %mul3A_1042 = vector.broadcast %mul3A_1041 : i32 to vector<16xi32>
    %mul3A_1043 = arith.muli %shift_right_logical3A_1031, %mul3A_1042 : vector<16xi32>
    %add3A_1044 = arith.addi %mul3A_1043, %and3A_1037 : vector<16xi32>
    %gather3A_1045 = tpu.vector_load_idx %arg7[%add3A_1044] : memref<64xf32, #tpu.memory_space<vmem>>[vector<16xi32>], vector<16xf32>,
    %mul3A_1046 = arith.constant 8 : i32
    %mul3A_1047 = vector.broadcast %mul3A_1046 : i32 to vector<16xi32>
    %mul3A_1048 = arith.muli %shift_right_logical3A_1031, %mul3A_1047 : vector<16xi32>
    %add3A_1049 = arith.addi %mul3A_1048, %and3A_1040 : vector<16xi32>
    %gather3A_1050 = tpu.vector_load_idx %arg7[%add3A_1049] : memref<64xf32, #tpu.memory_space<vmem>>[vector<16xi32>], vector<16xf32>,
    %mul3A_1051 = arith.constant 8 : i32
    %mul3A_1052 = vector.broadcast %mul3A_1051 : i32 to vector<16xi32>
    %mul3A_1053 = arith.muli %and3A_1037, %mul3A_1052 : vector<16xi32>
    %add3A_1054 = arith.addi %mul3A_1053, %and3A_1040 : vector<16xi32>
    %gather3A_1055 = tpu.vector_load_idx %arg7[%add3A_1054] : memref<64xf32, #tpu.memory_space<vmem>>[vector<16xi32>], vector<16xf32>,
    %mul3A_1056 = arith.constant 8 : i32
    %mul3A_1057 = vector.broadcast %mul3A_1056 : i32 to vector<16xi32>
    %mul3A_1058 = arith.muli %shift_right_logical3A_1031, %mul3A_1057 : vector<16xi32>
    %add3A_1059 = arith.addi %mul3A_1058, %and3A_1037 : vector<16xi32>
    %gather3A_1060 = tpu.vector_load_idx %arg8[%add3A_1059] : memref<64xf32, #tpu.memory_space<vmem>>[vector<16xi32>], vector<16xf32>,
    %mul3A_1061 = arith.constant 8 : i32
    %mul3A_1062 = vector.broadcast %mul3A_1061 : i32 to vector<16xi32>
    %mul3A_1063 = arith.muli %shift_right_logical3A_1031, %mul3A_1062 : vector<16xi32>
    %add3A_1064 = arith.addi %mul3A_1063, %and3A_1040 : vector<16xi32>
    %gather3A_1065 = tpu.vector_load_idx %arg8[%add3A_1064] : memref<64xf32, #tpu.memory_space<vmem>>[vector<16xi32>], vector<16xf32>,
    %mul3A_1066 = arith.constant 8 : i32
    %mul3A_1067 = vector.broadcast %mul3A_1066 : i32 to vector<16xi32>
    %mul3A_1068 = arith.muli %and3A_1037, %mul3A_1067 : vector<16xi32>
    %add3A_1069 = arith.addi %mul3A_1068, %and3A_1040 : vector<16xi32>
    %gather3A_1070 = tpu.vector_load_idx %arg8[%add3A_1069] : memref<64xf32, #tpu.memory_space<vmem>>[vector<16xi32>], vector<16xf32>,
    %gather3A_1071 = tpu.vector_load_idx %arg5[%and3A_1040] : memref<16xf32, #tpu.memory_space<vmem>>[vector<16xi32>], vector<16xf32>,
    %gather3A_1072 = tpu.vector_load_idx %arg5[%and3A_1037] : memref<16xf32, #tpu.memory_space<vmem>>[vector<16xi32>], vector<16xf32>,
    %gather3A_1073 = tpu.vector_load_idx %arg5[%shift_right_logical3A_1031] : memref<16xf32, #tpu.memory_space<vmem>>[vector<16xi32>], vector<16xf32>,
    %gather3A_1074 = tpu.vector_load_idx %arg6[%shift_right_logical3A_1031] : memref<16xf32, #tpu.memory_space<vmem>>[vector<16xi32>], vector<16xf32>,
    %gather3A_1075 = tpu.vector_load_idx %arg6[%and3A_1037] : memref<16xf32, #tpu.memory_space<vmem>>[vector<16xi32>], vector<16xf32>,
    %mul3A_1076 = arith.mulf %gather3A_1074, %gather3A_1075 : vector<16xf32>
    %gather3A_1077 = tpu.vector_load_idx %arg6[%and3A_1040] : memref<16xf32, #tpu.memory_space<vmem>>[vector<16xi32>], vector<16xf32>,
    %mul3A_1078 = arith.mulf %mul3A_1076, %gather3A_1077 : vector<16xf32>
    %lt3A_1079 = arith.cmpf olt, %gather3A_1050, %gather3A_1045 : vector<16xf32>
    %convert_element_type3A_1080 = arith.extui %lt3A_1079 : vector<16xi1> to vector<16xi32>
    %lt3A_1081 = arith.cmpf olt, %gather3A_1055, %gather3A_1045 : vector<16xf32>
    %convert_element_type3A_1082 = arith.extui %lt3A_1081 : vector<16xi1> to vector<16xi32>
    %add3A_1083 = arith.addi %convert_element_type3A_1080, %convert_element_type3A_1082 : vector<16xi32>
    %le3A_1084 = arith.cmpf ole, %gather3A_1045, %gather3A_1050 : vector<16xf32>
    %convert_element_type3A_1085 = arith.extui %le3A_1084 : vector<16xi1> to vector<16xi32>
    %lt3A_1086 = arith.cmpf olt, %gather3A_1055, %gather3A_1050 : vector<16xf32>
    %convert_element_type3A_1087 = arith.extui %lt3A_1086 : vector<16xi1> to vector<16xi32>
    %add3A_1088 = arith.addi %convert_element_type3A_1085, %convert_element_type3A_1087 : vector<16xi32>
    %le3A_1089 = arith.cmpf ole, %gather3A_1045, %gather3A_1055 : vector<16xf32>
    %convert_element_type3A_1090 = arith.extui %le3A_1089 : vector<16xi1> to vector<16xi32>
    %le3A_1091 = arith.cmpf ole, %gather3A_1050, %gather3A_1055 : vector<16xf32>
    %convert_element_type3A_1092 = arith.extui %le3A_1091 : vector<16xi1> to vector<16xi32>
    %add3A_1093 = arith.addi %convert_element_type3A_1090, %convert_element_type3A_1092 : vector<16xi32>
    %eq3A_1094 = arith.constant 0 : i32
    %eq3A_1095 = vector.broadcast %eq3A_1094 : i32 to vector<16xi32>
    %eq3A_1096 = arith.cmpi eq, %add3A_1083, %eq3A_1095 : vector<16xi32>
    %eq3A_1097 = arith.constant 0 : i32
    %eq3A_1098 = vector.broadcast %eq3A_1097 : i32 to vector<16xi32>
    %eq3A_1099 = arith.cmpi eq, %add3A_1088, %eq3A_1098 : vector<16xi32>
    %select_n3A_1100 = arith.select %eq3A_1099, %gather3A_1050, %gather3A_1055 : vector<16xi1>, vector<16xf32>
    %select_n3A_1101 = arith.select %eq3A_1096, %gather3A_1045, %select_n3A_1100 : vector<16xi1>, vector<16xf32>
    %eq3A_1102 = arith.constant 1 : i32
    %eq3A_1103 = vector.broadcast %eq3A_1102 : i32 to vector<16xi32>
    %eq3A_1104 = arith.cmpi eq, %add3A_1083, %eq3A_1103 : vector<16xi32>
    %eq3A_1105 = arith.constant 1 : i32
    %eq3A_1106 = vector.broadcast %eq3A_1105 : i32 to vector<16xi32>
    %eq3A_1107 = arith.cmpi eq, %add3A_1088, %eq3A_1106 : vector<16xi32>
    %select_n3A_1108 = arith.select %eq3A_1107, %gather3A_1050, %gather3A_1055 : vector<16xi1>, vector<16xf32>
    %select_n3A_1109 = arith.select %eq3A_1104, %gather3A_1045, %select_n3A_1108 : vector<16xi1>, vector<16xf32>
    %eq3A_1110 = arith.constant 2 : i32
    %eq3A_1111 = vector.broadcast %eq3A_1110 : i32 to vector<16xi32>
    %eq3A_1112 = arith.cmpi eq, %add3A_1083, %eq3A_1111 : vector<16xi32>
    %eq3A_1113 = arith.constant 2 : i32
    %eq3A_1114 = vector.broadcast %eq3A_1113 : i32 to vector<16xi32>
    %eq3A_1115 = arith.cmpi eq, %add3A_1088, %eq3A_1114 : vector<16xi32>
    %select_n3A_1116 = arith.select %eq3A_1115, %gather3A_1050, %gather3A_1055 : vector<16xi1>, vector<16xf32>
    %select_n3A_1117 = arith.select %eq3A_1112, %gather3A_1045, %select_n3A_1116 : vector<16xi1>, vector<16xf32>
    %eq3A_1118 = arith.constant 0 : i32
    %eq3A_1119 = vector.broadcast %eq3A_1118 : i32 to vector<16xi32>
    %eq3A_1120 = arith.cmpi eq, %add3A_1083, %eq3A_1119 : vector<16xi32>
    %eq3A_1121 = arith.constant 0 : i32
    %eq3A_1122 = vector.broadcast %eq3A_1121 : i32 to vector<16xi32>
    %eq3A_1123 = arith.cmpi eq, %add3A_1088, %eq3A_1122 : vector<16xi32>
    %select_n3A_1124 = arith.select %eq3A_1123, %gather3A_1065, %gather3A_1070 : vector<16xi1>, vector<16xf32>
    %select_n3A_1125 = arith.select %eq3A_1120, %gather3A_1060, %select_n3A_1124 : vector<16xi1>, vector<16xf32>
    %eq3A_1126 = arith.constant 1 : i32
    %eq3A_1127 = vector.broadcast %eq3A_1126 : i32 to vector<16xi32>
    %eq3A_1128 = arith.cmpi eq, %add3A_1083, %eq3A_1127 : vector<16xi32>
    %eq3A_1129 = arith.constant 1 : i32
    %eq3A_1130 = vector.broadcast %eq3A_1129 : i32 to vector<16xi32>
    %eq3A_1131 = arith.cmpi eq, %add3A_1088, %eq3A_1130 : vector<16xi32>
    %select_n3A_1132 = arith.select %eq3A_1131, %gather3A_1065, %gather3A_1070 : vector<16xi1>, vector<16xf32>
    %select_n3A_1133 = arith.select %eq3A_1128, %gather3A_1060, %select_n3A_1132 : vector<16xi1>, vector<16xf32>
    %eq3A_1134 = arith.constant 2 : i32
    %eq3A_1135 = vector.broadcast %eq3A_1134 : i32 to vector<16xi32>
    %eq3A_1136 = arith.cmpi eq, %add3A_1083, %eq3A_1135 : vector<16xi32>
    %eq3A_1137 = arith.constant 2 : i32
    %eq3A_1138 = vector.broadcast %eq3A_1137 : i32 to vector<16xi32>
    %eq3A_1139 = arith.cmpi eq, %add3A_1088, %eq3A_1138 : vector<16xi32>
    %select_n3A_1140 = arith.select %eq3A_1139, %gather3A_1065, %gather3A_1070 : vector<16xi1>, vector<16xf32>
    %select_n3A_1141 = arith.select %eq3A_1136, %gather3A_1060, %select_n3A_1140 : vector<16xi1>, vector<16xf32>
    %eq3A_1142 = arith.constant 0 : i32
    %eq3A_1143 = vector.broadcast %eq3A_1142 : i32 to vector<16xi32>
    %eq3A_1144 = arith.cmpi eq, %add3A_1083, %eq3A_1143 : vector<16xi32>
    %eq3A_1145 = arith.constant 0 : i32
    %eq3A_1146 = vector.broadcast %eq3A_1145 : i32 to vector<16xi32>
    %eq3A_1147 = arith.cmpi eq, %add3A_1088, %eq3A_1146 : vector<16xi32>
    %select_n3A_1148 = arith.select %eq3A_1147, %gather3A_1072, %gather3A_1073 : vector<16xi1>, vector<16xf32>
    %select_n3A_1149 = arith.select %eq3A_1144, %gather3A_1071, %select_n3A_1148 : vector<16xi1>, vector<16xf32>
    %eq3A_1150 = arith.constant 1 : i32
    %eq3A_1151 = vector.broadcast %eq3A_1150 : i32 to vector<16xi32>
    %eq3A_1152 = arith.cmpi eq, %add3A_1083, %eq3A_1151 : vector<16xi32>
    %eq3A_1153 = arith.constant 1 : i32
    %eq3A_1154 = vector.broadcast %eq3A_1153 : i32 to vector<16xi32>
    %eq3A_1155 = arith.cmpi eq, %add3A_1088, %eq3A_1154 : vector<16xi32>
    %select_n3A_1156 = arith.select %eq3A_1155, %gather3A_1072, %gather3A_1073 : vector<16xi1>, vector<16xf32>
    %select_n3A_1157 = arith.select %eq3A_1152, %gather3A_1071, %select_n3A_1156 : vector<16xi1>, vector<16xf32>
    %eq3A_1158 = arith.constant 2 : i32
    %eq3A_1159 = vector.broadcast %eq3A_1158 : i32 to vector<16xi32>
    %eq3A_1160 = arith.cmpi eq, %add3A_1083, %eq3A_1159 : vector<16xi32>
    %eq3A_1161 = arith.constant 2 : i32
    %eq3A_1162 = vector.broadcast %eq3A_1161 : i32 to vector<16xi32>
    %eq3A_1163 = arith.cmpi eq, %add3A_1088, %eq3A_1162 : vector<16xi32>
    %select_n3A_1164 = arith.select %eq3A_1163, %gather3A_1072, %gather3A_1073 : vector<16xi1>, vector<16xf32>
    %select_n3A_1165 = arith.select %eq3A_1160, %gather3A_1071, %select_n3A_1164 : vector<16xi1>, vector<16xf32>
    %mul3A_1166 = arith.mulf %select_n3A_1165, %select_n3A_1157 : vector<16xf32>
    %mul3A_1167 = arith.mulf %mul3A_1166, %select_n3A_1149 : vector<16xf32>
    %sub3A_1168 = arith.constant 1.000000e+00 : f32
    %sub3A_1169 = vector.broadcast %sub3A_1168 : f32 to vector<16xf32>
    %sub3A_1170 = arith.subf %sub3A_1169, %select_n3A_1165 : vector<16xf32>
    %mul3A_1171 = arith.mulf %sub3A_1170, %select_n3A_1157 : vector<16xf32>
    %mul3A_1172 = arith.mulf %mul3A_1171, %select_n3A_1149 : vector<16xf32>
    %sub3A_1173 = arith.constant 1.000000e+00 : f32
    %sub3A_1174 = vector.broadcast %sub3A_1173 : f32 to vector<16xf32>
    %sub3A_1175 = arith.subf %sub3A_1174, %select_n3A_1157 : vector<16xf32>
    %mul3A_1176 = arith.mulf %select_n3A_1165, %sub3A_1175 : vector<16xf32>
    %mul3A_1177 = arith.mulf %mul3A_1176, %select_n3A_1149 : vector<16xf32>
    %mul3A_1178 = arith.mulf %select_n3A_1165, %select_n3A_1157 : vector<16xf32>
    %sub3A_1179 = arith.constant 1.000000e+00 : f32
    %sub3A_1180 = vector.broadcast %sub3A_1179 : f32 to vector<16xf32>
    %sub3A_1181 = arith.subf %sub3A_1180, %select_n3A_1149 : vector<16xf32>
    %mul3A_1182 = arith.mulf %mul3A_1178, %sub3A_1181 : vector<16xf32>
    %mul3A_1183 = arith.mulf %mul3A_1167, %select_n3A_1101 : vector<16xf32>
    %sub3A_1184 = arith.subf %select_n3A_1109, %select_n3A_1101 : vector<16xf32>
    %mul3A_1185 = arith.mulf %mul3A_1167, %sub3A_1184 : vector<16xf32>
    %sub3A_1186 = arith.subf %select_n3A_1117, %select_n3A_1109 : vector<16xf32>
    %mul3A_1187 = arith.mulf %mul3A_1167, %sub3A_1186 : vector<16xf32>
    %mul3A_1188 = arith.mulf %mul3A_1172, %select_n3A_1117 : vector<16xf32>
    %add3A_1189 = arith.addf %mul3A_1187, %mul3A_1188 : vector<16xf32>
    %mul3A_1190 = arith.mulf %mul3A_1177, %select_n3A_1109 : vector<16xf32>
    %mul3A_1191 = arith.mulf %mul3A_1182, %select_n3A_1101 : vector<16xf32>
    %sub3A_1192 = arith.constant 1.000000e+00 : f32
    %sub3A_1193 = vector.broadcast %sub3A_1192 : f32 to vector<16xf32>
    %sub3A_1194 = arith.subf %sub3A_1193, %mul3A_1183 : vector<16xf32>
    %sub3A_1195 = arith.subf %sub3A_1194, %mul3A_1185 : vector<16xf32>
    %sub3A_1196 = arith.subf %sub3A_1195, %add3A_1189 : vector<16xf32>
    %sub3A_1197 = arith.subf %sub3A_1196, %mul3A_1190 : vector<16xf32>
    %sub3A_1198 = arith.subf %sub3A_1197, %mul3A_1191 : vector<16xf32>
    %mul3A_1199 = arith.mulf %sub3A_1198, %sub3A_1198 : vector<16xf32>
    %mul3A_1200 = arith.mulf %mul3A_1199, %mul3A_1199 : vector<16xf32>
    %mul3A_1201 = arith.mulf %mul3A_1200, %sub3A_1198 : vector<16xf32>
    %add3A_1202 = arith.addf %sub3A_1198, %add3A_1189 : vector<16xf32>
    %mul3A_1203 = arith.mulf %add3A_1202, %add3A_1202 : vector<16xf32>
    %mul3A_1204 = arith.mulf %mul3A_1203, %mul3A_1203 : vector<16xf32>
    %mul3A_1205 = arith.mulf %mul3A_1204, %add3A_1202 : vector<16xf32>
    %add3A_1206 = arith.addf %sub3A_1198, %mul3A_1190 : vector<16xf32>
    %mul3A_1207 = arith.mulf %add3A_1206, %add3A_1206 : vector<16xf32>
    %mul3A_1208 = arith.mulf %mul3A_1207, %mul3A_1207 : vector<16xf32>
    %mul3A_1209 = arith.mulf %mul3A_1208, %add3A_1206 : vector<16xf32>
    %add3A_1210 = arith.addf %sub3A_1198, %mul3A_1191 : vector<16xf32>
    %mul3A_1211 = arith.mulf %add3A_1210, %add3A_1210 : vector<16xf32>
    %mul3A_1212 = arith.mulf %mul3A_1211, %mul3A_1211 : vector<16xf32>
    %mul3A_1213 = arith.mulf %mul3A_1212, %add3A_1210 : vector<16xf32>
    %add3A_1214 = arith.addf %sub3A_1198, %add3A_1189 : vector<16xf32>
    %add3A_1215 = arith.addf %add3A_1214, %mul3A_1190 : vector<16xf32>
    %add3A_1216 = arith.addf %add3A_1215, %mul3A_1185 : vector<16xf32>
    %mul3A_1217 = arith.mulf %add3A_1216, %add3A_1216 : vector<16xf32>
    %mul3A_1218 = arith.mulf %mul3A_1217, %mul3A_1217 : vector<16xf32>
    %mul3A_1219 = arith.mulf %mul3A_1218, %add3A_1216 : vector<16xf32>
    %add3A_1220 = arith.addf %sub3A_1198, %add3A_1189 : vector<16xf32>
    %add3A_1221 = arith.addf %add3A_1220, %mul3A_1191 : vector<16xf32>
    %mul3A_1222 = arith.mulf %add3A_1221, %add3A_1221 : vector<16xf32>
    %mul3A_1223 = arith.mulf %mul3A_1222, %mul3A_1222 : vector<16xf32>
    %mul3A_1224 = arith.mulf %mul3A_1223, %add3A_1221 : vector<16xf32>
    %add3A_1225 = arith.addf %sub3A_1198, %mul3A_1190 : vector<16xf32>
    %add3A_1226 = arith.addf %add3A_1225, %mul3A_1191 : vector<16xf32>
    %mul3A_1227 = arith.mulf %add3A_1226, %add3A_1226 : vector<16xf32>
    %mul3A_1228 = arith.mulf %mul3A_1227, %mul3A_1227 : vector<16xf32>
    %mul3A_1229 = arith.mulf %mul3A_1228, %add3A_1226 : vector<16xf32>
    %sub3A_1230 = arith.constant 1.000000e+00 : f32
    %sub3A_1231 = vector.broadcast %sub3A_1230 : f32 to vector<16xf32>
    %sub3A_1232 = arith.subf %sub3A_1231, %select_n3A_1141 : vector<16xf32>
    %sub3A_1233 = arith.constant 1.000000e+00 : f32
    %sub3A_1234 = vector.broadcast %sub3A_1233 : f32 to vector<16xf32>
    %sub3A_1235 = arith.subf %sub3A_1234, %select_n3A_1133 : vector<16xf32>
    %sub3A_1236 = arith.constant 1.000000e+00 : f32
    %sub3A_1237 = vector.broadcast %sub3A_1236 : f32 to vector<16xf32>
    %sub3A_1238 = arith.subf %sub3A_1237, %select_n3A_1125 : vector<16xf32>
    %mul3A_1239 = arith.mulf %mul3A_1201, %sub3A_1232 : vector<16xf32>
    %mul3A_1240 = arith.mulf %mul3A_1239, %sub3A_1235 : vector<16xf32>
    %mul3A_1241 = arith.mulf %mul3A_1240, %sub3A_1238 : vector<16xf32>
    %mul3A_1242 = arith.mulf %mul3A_1201, %select_n3A_1141 : vector<16xf32>
    %mul3A_1243 = arith.mulf %mul3A_1242, %sub3A_1235 : vector<16xf32>
    %mul3A_1244 = arith.mulf %mul3A_1243, %sub3A_1238 : vector<16xf32>
    %sub3A_1245 = arith.subf %mul3A_1205, %mul3A_1201 : vector<16xf32>
    %mul3A_1246 = arith.mulf %sub3A_1245, %sub3A_1235 : vector<16xf32>
    %mul3A_1247 = arith.mulf %mul3A_1246, %sub3A_1238 : vector<16xf32>
    %add3A_1248 = arith.addf %mul3A_1244, %mul3A_1247 : vector<16xf32>
    %mul3A_1249 = arith.mulf %mul3A_1201, %select_n3A_1133 : vector<16xf32>
    %mul3A_1250 = arith.mulf %mul3A_1249, %sub3A_1238 : vector<16xf32>
    %mul3A_1251 = arith.mulf %mul3A_1250, %sub3A_1232 : vector<16xf32>
    %sub3A_1252 = arith.subf %mul3A_1209, %mul3A_1201 : vector<16xf32>
    %mul3A_1253 = arith.mulf %sub3A_1252, %sub3A_1238 : vector<16xf32>
    %mul3A_1254 = arith.mulf %mul3A_1253, %sub3A_1232 : vector<16xf32>
    %add3A_1255 = arith.addf %mul3A_1251, %mul3A_1254 : vector<16xf32>
    %mul3A_1256 = arith.mulf %mul3A_1201, %select_n3A_1125 : vector<16xf32>
    %mul3A_1257 = arith.mulf %mul3A_1256, %sub3A_1232 : vector<16xf32>
    %mul3A_1258 = arith.mulf %mul3A_1257, %sub3A_1235 : vector<16xf32>
    %sub3A_1259 = arith.subf %mul3A_1213, %mul3A_1201 : vector<16xf32>
    %mul3A_1260 = arith.mulf %sub3A_1259, %sub3A_1232 : vector<16xf32>
    %mul3A_1261 = arith.mulf %mul3A_1260, %sub3A_1235 : vector<16xf32>
    %add3A_1262 = arith.addf %mul3A_1258, %mul3A_1261 : vector<16xf32>
    %mul3A_1263 = arith.mulf %mul3A_1201, %select_n3A_1141 : vector<16xf32>
    %mul3A_1264 = arith.mulf %mul3A_1263, %select_n3A_1133 : vector<16xf32>
    %mul3A_1265 = arith.mulf %mul3A_1264, %sub3A_1238 : vector<16xf32>
    %sub3A_1266 = arith.subf %mul3A_1205, %mul3A_1201 : vector<16xf32>
    %mul3A_1267 = arith.mulf %sub3A_1266, %select_n3A_1133 : vector<16xf32>
    %mul3A_1268 = arith.mulf %mul3A_1267, %sub3A_1238 : vector<16xf32>
    %add3A_1269 = arith.addf %mul3A_1265, %mul3A_1268 : vector<16xf32>
    %sub3A_1270 = arith.subf %mul3A_1209, %mul3A_1201 : vector<16xf32>
    %mul3A_1271 = arith.mulf %sub3A_1270, %select_n3A_1141 : vector<16xf32>
    %mul3A_1272 = arith.mulf %mul3A_1271, %sub3A_1238 : vector<16xf32>
    %add3A_1273 = arith.addf %add3A_1269, %mul3A_1272 : vector<16xf32>
    %sub3A_1274 = arith.subf %mul3A_1219, %mul3A_1205 : vector<16xf32>
    %sub3A_1275 = arith.subf %sub3A_1274, %mul3A_1209 : vector<16xf32>
    %add3A_1276 = arith.addf %sub3A_1275, %mul3A_1201 : vector<16xf32>
    %mul3A_1277 = arith.mulf %add3A_1276, %sub3A_1238 : vector<16xf32>
    %add3A_1278 = arith.addf %add3A_1273, %mul3A_1277 : vector<16xf32>
    %mul3A_1279 = arith.mulf %mul3A_1201, %select_n3A_1141 : vector<16xf32>
    %mul3A_1280 = arith.mulf %mul3A_1279, %select_n3A_1125 : vector<16xf32>
    %mul3A_1281 = arith.mulf %mul3A_1280, %sub3A_1235 : vector<16xf32>
    %sub3A_1282 = arith.subf %mul3A_1205, %mul3A_1201 : vector<16xf32>
    %mul3A_1283 = arith.mulf %sub3A_1282, %select_n3A_1125 : vector<16xf32>
    %mul3A_1284 = arith.mulf %mul3A_1283, %sub3A_1235 : vector<16xf32>
    %add3A_1285 = arith.addf %mul3A_1281, %mul3A_1284 : vector<16xf32>
    %sub3A_1286 = arith.subf %mul3A_1213, %mul3A_1201 : vector<16xf32>
    %mul3A_1287 = arith.mulf %sub3A_1286, %select_n3A_1141 : vector<16xf32>
    %mul3A_1288 = arith.mulf %mul3A_1287, %sub3A_1235 : vector<16xf32>
    %add3A_1289 = arith.addf %add3A_1285, %mul3A_1288 : vector<16xf32>
    %sub3A_1290 = arith.subf %mul3A_1224, %mul3A_1205 : vector<16xf32>
    %sub3A_1291 = arith.subf %sub3A_1290, %mul3A_1213 : vector<16xf32>
    %add3A_1292 = arith.addf %sub3A_1291, %mul3A_1201 : vector<16xf32>
    %mul3A_1293 = arith.mulf %add3A_1292, %sub3A_1235 : vector<16xf32>
    %add3A_1294 = arith.addf %add3A_1289, %mul3A_1293 : vector<16xf32>
    %mul3A_1295 = arith.mulf %mul3A_1201, %select_n3A_1133 : vector<16xf32>
    %mul3A_1296 = arith.mulf %mul3A_1295, %select_n3A_1125 : vector<16xf32>
    %mul3A_1297 = arith.mulf %mul3A_1296, %sub3A_1232 : vector<16xf32>
    %sub3A_1298 = arith.subf %mul3A_1209, %mul3A_1201 : vector<16xf32>
    %mul3A_1299 = arith.mulf %sub3A_1298, %select_n3A_1125 : vector<16xf32>
    %mul3A_1300 = arith.mulf %mul3A_1299, %sub3A_1232 : vector<16xf32>
    %add3A_1301 = arith.addf %mul3A_1297, %mul3A_1300 : vector<16xf32>
    %sub3A_1302 = arith.subf %mul3A_1213, %mul3A_1201 : vector<16xf32>
    %mul3A_1303 = arith.mulf %sub3A_1302, %select_n3A_1133 : vector<16xf32>
    %mul3A_1304 = arith.mulf %mul3A_1303, %sub3A_1232 : vector<16xf32>
    %add3A_1305 = arith.addf %add3A_1301, %mul3A_1304 : vector<16xf32>
    %sub3A_1306 = arith.subf %mul3A_1229, %mul3A_1209 : vector<16xf32>
    %sub3A_1307 = arith.subf %sub3A_1306, %mul3A_1213 : vector<16xf32>
    %add3A_1308 = arith.addf %sub3A_1307, %mul3A_1201 : vector<16xf32>
    %mul3A_1309 = arith.mulf %add3A_1308, %sub3A_1232 : vector<16xf32>
    %add3A_1310 = arith.addf %add3A_1305, %mul3A_1309 : vector<16xf32>
    %sub3A_1311 = arith.constant 1.000000e+00 : f32
    %sub3A_1312 = vector.broadcast %sub3A_1311 : f32 to vector<16xf32>
    %sub3A_1313 = arith.subf %sub3A_1312, %mul3A_1241 : vector<16xf32>
    %sub3A_1314 = arith.subf %sub3A_1313, %add3A_1248 : vector<16xf32>
    %sub3A_1315 = arith.subf %sub3A_1314, %add3A_1255 : vector<16xf32>
    %sub3A_1316 = arith.subf %sub3A_1315, %add3A_1262 : vector<16xf32>
    %sub3A_1317 = arith.subf %sub3A_1316, %add3A_1278 : vector<16xf32>
    %sub3A_1318 = arith.subf %sub3A_1317, %add3A_1294 : vector<16xf32>
    %sub3A_1319 = arith.subf %sub3A_1318, %add3A_1310 : vector<16xf32>
    %add3A_1320 = arith.addf %add3A_1278, %add3A_1294 : vector<16xf32>
    %add3A_1321 = arith.addf %add3A_1320, %add3A_1310 : vector<16xf32>
    %mul3A_1322 = arith.mulf %add3A_1321, %mul3A_1078 : vector<16xf32>
    %mul3A_1323 = arith.mulf %sub3A_1319, %mul3A_1078 : vector<16xf32>
    %add3A_1324 = arith.addf %mul3A_1019, %mul3A_1322 : vector<16xf32>
    %reduce_sum3A_1325 = arith.constant true
    %reduce_sum3A_1326 = vector.broadcast %reduce_sum3A_1325 : i1 to vector<16xi1>
    %reduce_sum3A_1327 = tpu.scan <sum>, %add3A_1324 masked %reduce_sum3A_1326 : vector<16xf32>, vector<16xi1> -> vector<16xf32>
    %reduce_sum3A_1328 = vector.extract %reduce_sum3A_1327[15] : f32 from vector<16xf32>
    %broadcast_in_dim3A_1329 = arith.constant 1.000000e+00 : f32
    %broadcast_in_dim3A_1330 = vector.broadcast %broadcast_in_dim3A_1329 : f32 to vector<16xf32>
    %mul3A_1331 = vector.broadcast %reduce_sum3A_1328 : f32 to vector<16xf32>
    %mul3A_1332 = arith.mulf %mul3A_1331, %broadcast_in_dim3A_1330 : vector<16xf32>
    %add3A_1333 = arith.addf %mul3A_1020, %mul3A_1323 : vector<16xf32>
    %reduce_sum3A_1334 = arith.constant true
    %reduce_sum3A_1335 = vector.broadcast %reduce_sum3A_1334 : i1 to vector<16xi1>
    %reduce_sum3A_1336 = tpu.scan <sum>, %add3A_1333 masked %reduce_sum3A_1335 : vector<16xf32>, vector<16xi1> -> vector<16xf32>
    %reduce_sum3A_1337 = vector.extract %reduce_sum3A_1336[15] : f32 from vector<16xf32>
    %broadcast_in_dim3A_1338 = arith.constant 1.000000e+00 : f32
    %broadcast_in_dim3A_1339 = vector.broadcast %broadcast_in_dim3A_1338 : f32 to vector<16xf32>
    %mul3A_1340 = vector.broadcast %reduce_sum3A_1337 : f32 to vector<16xf32>
    %mul3A_1341 = arith.mulf %mul3A_1340, %broadcast_in_dim3A_1339 : vector<16xf32>
    %eq3A_1342 = arith.constant 2 : i32
    %eq3A_1343 = vector.broadcast %eq3A_1342 : i32 to vector<16xi32>
    %eq3A_1344 = arith.cmpi eq, %iota3A, %eq3A_1343 : vector<16xi32>
    %broadcast_in_dim3A_1345 = arith.constant 1 : i32
    %broadcast_in_dim3A_1346 = vector.broadcast %broadcast_in_dim3A_1345 : i32 to vector<16xi32>
    %mul3A_1347 = vector.broadcast %arg1 : i32 to vector<16xi32>
    %mul3A_1348 = arith.muli %mul3A_1347, %broadcast_in_dim3A_1346 : vector<16xi32>
    %lt3A_1349 = arith.constant 8 : i32
    %lt3A_1350 = vector.broadcast %lt3A_1349 : i32 to vector<16xi32>
    %lt3A_1351 = arith.cmpi slt, %mul3A_1348, %lt3A_1350 : vector<16xi32>
    %and3A_1352 = arith.andi %eq3A_1344, %lt3A_1351 : vector<16xi1>
    %eq3A_1353 = arith.constant 0 : i32
    %eq3A_1354 = vector.broadcast %eq3A_1353 : i32 to vector<16xi32>
    %eq3A_1355 = arith.cmpi eq, %iota3A, %eq3A_1354 : vector<16xi32>
    %jit3A_1356 = arith.constant 0.000000e+00 : f32
    %broadcast_in_dim3A_1357 = vector.broadcast %jit3A_1356 : f32 to vector<16xf32>
    %select_n3A_1358 = arith.select %eq3A_1355, %mul3A_1332, %broadcast_in_dim3A_1357 : vector<16xi1>, vector<16xf32>
    %eq3A_1359 = arith.constant 1 : i32
    %eq3A_1360 = vector.broadcast %eq3A_1359 : i32 to vector<16xi32>
    %eq3A_1361 = arith.cmpi eq, %iota3A, %eq3A_1360 : vector<16xi32>
    %jit3A_1362 = arith.constant 0.000000e+00 : f32
    %broadcast_in_dim3A_1363 = vector.broadcast %jit3A_1362 : f32 to vector<16xf32>
    %select_n3A_1364 = arith.select %eq3A_1361, %mul3A_1341, %broadcast_in_dim3A_1363 : vector<16xi1>, vector<16xf32>
    %add3A_1365 = arith.addf %select_n3A_1358, %select_n3A_1364 : vector<16xf32>
    %jit3A_1366 = arith.constant 0.000000e+00 : f32
    %broadcast_in_dim3A_1367 = vector.broadcast %jit3A_1366 : f32 to vector<16xf32>
    %select_n3A_1368 = arith.select %and3A_1352, %mul3A_720, %broadcast_in_dim3A_1367 : vector<16xi1>, vector<16xf32>
    %add3A_1369 = arith.addf %add3A_1365, %select_n3A_1368 : vector<16xf32>
    %swap3A_1370 = arith.constant 0 : index
    %swap3A_1371 = tpu.vector_load %arg11[%swap3A_1370] {strides = array<i32>} : memref<16xf32, #tpu.memory_space<vmem>>, vector<16xf32>,
    tpu.vector_store %arg11[%swap3A_1370], %add3A_1369 {strides = array<i32>} : memref<16xf32, #tpu.memory_space<vmem>>, vector<16xf32>,
    %mul3A_1372 = arith.constant 16 : i32
    %mul3A_1373 = arith.muli %arg1, %mul3A_1372 : i32
    "tpu.region"() ({
      %run_scoped3A = tpu.sem_alloc : memref<!tpu.dma_semaphore, #tpu.memory_space<semaphore_mem>>
      %dma_start3A = tpu.memref_slice %arg15[%mul3A_1373] : memref<256xf32, #tpu.memory_space<vmem_shared>> -> memref<16xf32, #tpu.memory_space<vmem_shared>>
      %dma_start3A_1376 = tpu.memref_slice %arg15[%mul3A_1373] : memref<256xf32, #tpu.memory_space<vmem_shared>> -> memref<16xf32, #tpu.memory_space<vmem_shared>>
      tpu.enqueue_dma source(%arg11 : memref<16xf32, #tpu.memory_space<vmem>>) target(%dma_start3A_1376 : memref<16xf32, #tpu.memory_space<vmem_shared>>) target_semaphore(%run_scoped3A : memref<!tpu.dma_semaphore, #tpu.memory_space<semaphore_mem>>)
      %dma_wait3A = tpu.memref_slice %arg15[%mul3A_1373] : memref<256xf32, #tpu.memory_space<vmem_shared>> -> memref<16xf32, #tpu.memory_space<vmem_shared>>
      %dma_wait3A_1377 = tpu.memref_slice %arg15[%mul3A_1373] : memref<256xf32, #tpu.memory_space<vmem_shared>> -> memref<16xf32, #tpu.memory_space<vmem_shared>>
      tpu.wait_dma2 semaphore(%run_scoped3A : memref<!tpu.dma_semaphore, #tpu.memory_space<semaphore_mem>>) src(%arg11 : memref<16xf32, #tpu.memory_space<vmem>>) dst(%dma_wait3A_1377 : memref<16xf32, #tpu.memory_space<vmem_shared>>)
      tpu.yield
    }) : () -> ()
    %barrier3A = arith.constant 0 : index
    tpu.barrier barrier_id(%barrier3A)
    %convert_element_type3A_1374 = arith.extui %eq3A_0 : i1 to i32
    %cond3A = arith.constant 0 : i32
    %cond3A_1375 = arith.cmpi ne, %convert_element_type3A_1374, %cond3A : i32
    scf.if %cond3A_1375 {
      "tpu.region"() ({
        %run_scoped3A = tpu.sem_alloc : memref<!tpu.dma_semaphore, #tpu.memory_space<semaphore_mem>>
        tpu.enqueue_dma source(%arg15 : memref<256xf32, #tpu.memory_space<vmem_shared>>) target(%arg12 : memref<256xf32, #tpu.memory_space<vmem>>) target_semaphore(%run_scoped3A : memref<!tpu.dma_semaphore, #tpu.memory_space<semaphore_mem>>)
        tpu.wait_dma2 semaphore(%run_scoped3A : memref<!tpu.dma_semaphore, #tpu.memory_space<semaphore_mem>>) src(%arg15 : memref<256xf32, #tpu.memory_space<vmem_shared>>) dst(%arg12 : memref<256xf32, #tpu.memory_space<vmem>>)
        tpu.yield
      }) : () -> ()
      %get3A_1376 = arith.constant 0 : index
      %get3A_1377 = tpu.vector_load %arg12[%get3A_1376] {strides = array<i32>} : memref<256xf32, #tpu.memory_space<vmem>>, vector<16xf32>,
      %get3A_1378 = arith.constant 16 : index
      %get3A_1379 = tpu.vector_load %arg12[%get3A_1378] {strides = array<i32>} : memref<256xf32, #tpu.memory_space<vmem>>, vector<16xf32>,
      %add3A_1380 = arith.addf %get3A_1377, %get3A_1379 : vector<16xf32>
      %get3A_1381 = arith.constant 32 : index
      %get3A_1382 = tpu.vector_load %arg12[%get3A_1381] {strides = array<i32>} : memref<256xf32, #tpu.memory_space<vmem>>, vector<16xf32>,
      %add3A_1383 = arith.addf %add3A_1380, %get3A_1382 : vector<16xf32>
      %get3A_1384 = arith.constant 48 : index
      %get3A_1385 = tpu.vector_load %arg12[%get3A_1384] {strides = array<i32>} : memref<256xf32, #tpu.memory_space<vmem>>, vector<16xf32>,
      %add3A_1386 = arith.addf %add3A_1383, %get3A_1385 : vector<16xf32>
      %get3A_1387 = arith.constant 64 : index
      %get3A_1388 = tpu.vector_load %arg12[%get3A_1387] {strides = array<i32>} : memref<256xf32, #tpu.memory_space<vmem>>, vector<16xf32>,
      %add3A_1389 = arith.addf %add3A_1386, %get3A_1388 : vector<16xf32>
      %get3A_1390 = arith.constant 80 : index
      %get3A_1391 = tpu.vector_load %arg12[%get3A_1390] {strides = array<i32>} : memref<256xf32, #tpu.memory_space<vmem>>, vector<16xf32>,
      %add3A_1392 = arith.addf %add3A_1389, %get3A_1391 : vector<16xf32>
      %get3A_1393 = arith.constant 96 : index
      %get3A_1394 = tpu.vector_load %arg12[%get3A_1393] {strides = array<i32>} : memref<256xf32, #tpu.memory_space<vmem>>, vector<16xf32>,
      %add3A_1395 = arith.addf %add3A_1392, %get3A_1394 : vector<16xf32>
      %get3A_1396 = arith.constant 112 : index
      %get3A_1397 = tpu.vector_load %arg12[%get3A_1396] {strides = array<i32>} : memref<256xf32, #tpu.memory_space<vmem>>, vector<16xf32>,
      %add3A_1398 = arith.addf %add3A_1395, %get3A_1397 : vector<16xf32>
      %get3A_1399 = arith.constant 128 : index
      %get3A_1400 = tpu.vector_load %arg12[%get3A_1399] {strides = array<i32>} : memref<256xf32, #tpu.memory_space<vmem>>, vector<16xf32>,
      %add3A_1401 = arith.addf %add3A_1398, %get3A_1400 : vector<16xf32>
      %get3A_1402 = arith.constant 144 : index
      %get3A_1403 = tpu.vector_load %arg12[%get3A_1402] {strides = array<i32>} : memref<256xf32, #tpu.memory_space<vmem>>, vector<16xf32>,
      %add3A_1404 = arith.addf %add3A_1401, %get3A_1403 : vector<16xf32>
      %get3A_1405 = arith.constant 160 : index
      %get3A_1406 = tpu.vector_load %arg12[%get3A_1405] {strides = array<i32>} : memref<256xf32, #tpu.memory_space<vmem>>, vector<16xf32>,
      %add3A_1407 = arith.addf %add3A_1404, %get3A_1406 : vector<16xf32>
      %get3A_1408 = arith.constant 176 : index
      %get3A_1409 = tpu.vector_load %arg12[%get3A_1408] {strides = array<i32>} : memref<256xf32, #tpu.memory_space<vmem>>, vector<16xf32>,
      %add3A_1410 = arith.addf %add3A_1407, %get3A_1409 : vector<16xf32>
      %get3A_1411 = arith.constant 192 : index
      %get3A_1412 = tpu.vector_load %arg12[%get3A_1411] {strides = array<i32>} : memref<256xf32, #tpu.memory_space<vmem>>, vector<16xf32>,
      %add3A_1413 = arith.addf %add3A_1410, %get3A_1412 : vector<16xf32>
      %get3A_1414 = arith.constant 208 : index
      %get3A_1415 = tpu.vector_load %arg12[%get3A_1414] {strides = array<i32>} : memref<256xf32, #tpu.memory_space<vmem>>, vector<16xf32>,
      %add3A_1416 = arith.addf %add3A_1413, %get3A_1415 : vector<16xf32>
      %get3A_1417 = arith.constant 224 : index
      %get3A_1418 = tpu.vector_load %arg12[%get3A_1417] {strides = array<i32>} : memref<256xf32, #tpu.memory_space<vmem>>, vector<16xf32>,
      %add3A_1419 = arith.addf %add3A_1416, %get3A_1418 : vector<16xf32>
      %get3A_1420 = arith.constant 240 : index
      %get3A_1421 = tpu.vector_load %arg12[%get3A_1420] {strides = array<i32>} : memref<256xf32, #tpu.memory_space<vmem>>, vector<16xf32>,
      %add3A_1422 = arith.addf %add3A_1419, %get3A_1421 : vector<16xf32>
      %swap3A_1423 = arith.constant 0 : index
      %swap3A_1424 = tpu.vector_load %arg9[%swap3A_1423] {strides = array<i32>} : memref<16xf32, #tpu.memory_space<vmem>>, vector<16xf32>,
      tpu.vector_store %arg9[%swap3A_1423], %add3A_1422 {strides = array<i32>} : memref<16xf32, #tpu.memory_space<vmem>>, vector<16xf32>,
      %broadcast_in_dim3A_1425 = arith.constant 0 : i32
      %broadcast_in_dim3A_1426 = vector.broadcast %broadcast_in_dim3A_1425 : i32 to vector<16xi32>
      %gather3A_1427 = tpu.vector_load_idx %arg9[%broadcast_in_dim3A_1426] : memref<16xf32, #tpu.memory_space<vmem>>[vector<16xi32>], vector<16xf32>,
      %broadcast_in_dim3A_1428 = arith.constant 1 : i32
      %broadcast_in_dim3A_1429 = vector.broadcast %broadcast_in_dim3A_1428 : i32 to vector<16xi32>
      %gather3A_1430 = tpu.vector_load_idx %arg9[%broadcast_in_dim3A_1429] : memref<16xf32, #tpu.memory_space<vmem>>[vector<16xi32>], vector<16xf32>,
      %broadcast_in_dim3A_1431 = arith.constant 2 : i32
      %broadcast_in_dim3A_1432 = vector.broadcast %broadcast_in_dim3A_1431 : i32 to vector<16xi32>
      %gather3A_1433 = tpu.vector_load_idx %arg9[%broadcast_in_dim3A_1432] : memref<16xf32, #tpu.memory_space<vmem>>[vector<16xi32>], vector<16xf32>,
      %reduce_sum3A_1434 = arith.constant true
      %reduce_sum3A_1435 = vector.broadcast %reduce_sum3A_1434 : i1 to vector<16xi1>
      %reduce_sum3A_1436 = tpu.scan <sum>, %select_n3A masked %reduce_sum3A_1435 : vector<16xf32>, vector<16xi1> -> vector<16xf32>
      %reduce_sum3A_1437 = vector.extract %reduce_sum3A_1436[15] : f32 from vector<16xf32>
      %broadcast_in_dim3A_1438 = arith.constant 1.000000e+00 : f32
      %broadcast_in_dim3A_1439 = vector.broadcast %broadcast_in_dim3A_1438 : f32 to vector<16xf32>
      %mul3A_1440 = vector.broadcast %reduce_sum3A_1437 : f32 to vector<16xf32>
      %mul3A_1441 = arith.mulf %mul3A_1440, %broadcast_in_dim3A_1439 : vector<16xf32>
      %mul3A_1442 = arith.constant 2.560000e+02 : f32
      %mul3A_1443 = vector.broadcast %mul3A_1442 : f32 to vector<16xf32>
      %mul3A_1444 = arith.mulf %mul3A_1443, %gather3A_1433 : vector<16xf32>
      %sub3A_1445 = arith.subf %mul3A_1441, %mul3A_1444 : vector<16xf32>
      %add3A_1446 = arith.addf %sub3A_1445, %mul3A_512 : vector<16xf32>
      %add3A_1447 = arith.addf %gather3A_1427, %gather3A_1430 : vector<16xf32>
      %mul3A_1448 = arith.constant 0.166666672 : f32
      %mul3A_1449 = vector.broadcast %mul3A_1448 : f32 to vector<16xf32>
      %mul3A_1450 = arith.mulf %add3A_1447, %mul3A_1449 : vector<16xf32>
      %add3A_1451 = arith.addf %add3A_1446, %mul3A_1450 : vector<16xf32>
      %swap3A_1452 = arith.constant 0 : index
      %swap3A_1453 = tpu.vector_load %arg13[%swap3A_1452] {strides = array<i32>} : memref<16xf32, #tpu.memory_space<vmem>>, vector<16xf32>,
      tpu.vector_store %arg13[%swap3A_1452], %add3A_1451 {strides = array<i32>} : memref<16xf32, #tpu.memory_space<vmem>>, vector<16xf32>,
      "tpu.region"() ({
        %run_scoped3A = tpu.sem_alloc : memref<!tpu.dma_semaphore, #tpu.memory_space<semaphore_mem>>
        tpu.enqueue_dma source(%arg13 : memref<16xf32, #tpu.memory_space<vmem>>) target(%arg3 : memref<16xf32, #tpu.memory_space<hbm>>) target_semaphore(%run_scoped3A : memref<!tpu.dma_semaphore, #tpu.memory_space<semaphore_mem>>)
        tpu.wait_dma2 semaphore(%run_scoped3A : memref<!tpu.dma_semaphore, #tpu.memory_space<semaphore_mem>>) src(%arg13 : memref<16xf32, #tpu.memory_space<vmem>>) dst(%arg3 : memref<16xf32, #tpu.memory_space<hbm>>)
        tpu.yield
      }) : () -> ()
    } else {
    }
    return
  }
}

</mosaic_0001>

<sc_bundles>
// kernel: kernel.3.cloned.1.call-start
scs
__scs_entry_jumppad:
0x0: {  	(pc) =	sbr.rel $0x88, $3  }
0x1: {  	(tag) =	ssettag $0x0;
	lr =	simm.s32 $0x1  }
0x2: {  	[smem:$0x3F9E] =	sst lr;
	_ =	strace $0xD0000000  }
0x3: {  	_ = 	snop  }
0x4: {  	_ = 	snop  }
0x5: {  	_ = 	snop  }
0x6: {  	_ = 	snop  }
0x7: {  	_ = 	snop  }
__scs_overlays_trampoline_lowered:
0x8: {  	[smem:$0x3FAD] =	sst s0  }
0x9: {  	[smem:$0x3FAE] =	sst s1  }
0xa: {  	[smem:$0x3FAF] =	sst s2  }
0xb: {  	[smem:$0x3FB0] =	sst s3  }
0xc: {  	[smem:$0x3FB1] =	sst s4  }
0xd: {  	[smem:$0x3FB2] =	sst s5  }
0xe: {  	[smem:$0x3FB3] =	sst s6  }
0xf: {  	[smem:$0x3FB4] =	sst s7  }
0x10: {  	[smem:$0x3FB5] =	sst s8  }
0x11: {  	[smem:$0x3FB6] =	sst s9;
	s0 =	simm.s32 @!p0 $0x0  }
0x12: {  	s1 =	sld [smem:$0x3F9C];
	s0 =	simm.s32 @p0 $0x1  }
0x13: {  	[smem:$0x3FB7] =	sst s0;
	s0 =	simm.s32 @!p1 $0x0  }
0x14: {  	s2 =	sld [smem:$0x3F9B];
	s0 =	simm.s32 @p1 $0x1  }
0x15: {  	[smem:$0x3FB8] =	sst s0;
	s0 =	simm.s32 @!p2 $0x0  }
0x16: {  	s3 =	sld [smem:$0x3FDB];
	s0 =	simm.s32 @p2 $0x1  }
0x17: {  	s4 =	simm.s32 $0x1BF5;
	[smem:$0x3FBA] =	sst s0  }
0x18: {  	s0 =	sld [smem:$0x3F9D];
	_ =	swait.ge [sflag:s4], $0x0  }
0x19: {  	s7 =	sld [smem:$0x3F9E]  }
0x1a: {  	s8 =	sadd.s32 $0xFFFFE003, lr  }
0x1b: {  	s9 =	sadd.s32 $0xFFFFFEF7, lr;
	s5 =	simm.s32 $0xFFFFFFFF;
	p2 =	slt.u32 s8, $0xFFFFF086  }
0x1c: {  	p1 =	slt.u32 s9, $0xF7A;
	s5 =	simm.s32 @!p2 $0x0  }
0x1d: {  	s5 =	simm.s32 @p1 $0x1;
	p0 =	seq.s32 s7, s2  }
0x1e: {  	s7 =	smul.u32 @!p0 $0xF7A, s2;
	p2 =	seq.s32 @!p0 s5, $0x0  }
0x1f: {  	s9 =	smul.u32 $0xF7A, s1;
	s8 =	simm.s32 @!p0 $0x1BF5;
	p2 =	por !p2, p0  }
0x20: {  	[sflag:s8] =	ssyncset.s32 @!p0 $0xFFFFF086;
	s6 =	sadd.s32 @!p0 s3, s7;
	s7 =	simm.s32 @!p0 $0x108  }
0x21: {  	s3 =	sadd.s32 s3, s9;
	s6 =	sadd.s32 @!p0 $0x88, s6;
	s7 =	simm.s32 @p2 $0x1082  }
0x22: {  	[simem:s7], [sflag:s8] =	dma.local @!p0 [hbm:s6], $0xF7A  }
0x23: {  	s9 =	sor.u32 $0xD0000000, s2;
	s6 =	simm.s32 $0x108;
	_ =	swait.ge @!p0 [sflag:s8], $0x0  }
0x24: {  	s3 =	sadd.s32 $0x88, s3;
	s6 =	simm.s32 @!p1 $0x1082;
	[sflag:s4] =	ssyncset.s32 $0xFFFFF086  }
0x25: {  	[simem:s6], [sflag:s4] =	dma.local [hbm:s3], $0xF7A  }
0x26: {  	[smem:$0x3F9E] =	sst s1;
	(tag) =	ssettag s2;
	_ =	strace s9  }
0x27: {  	s1 =	sld [smem:$0x3FAE]  }
0x28: {  	s2 =	sld [smem:$0x3FAF]  }
0x29: {  	s4 =	sld [smem:$0x3FB1]  }
0x2a: {  	p0 =	seq.s32 s5, $0x0;
	s5 =	sld [smem:$0x3FB2]  }
0x2b: {  	s6 =	sld [smem:$0x3FB3]  }
0x2c: {  	s7 =	sld [smem:$0x3FB4]  }
0x2d: {  	s3 =	simm.s32 $0x108;
	s8 =	sld [smem:$0x3FB5]  }
0x2e: {  	s3 =	simm.s32 @!p0 $0x1082;
	s9 =	sld [smem:$0x3FB6]  }
0x2f: {  	lr =	sadd.s32 s0, s3;
	s0 =	sld [smem:$0x3FAD]  }
0x30: {  	s3 =	sld [smem:$0x3FB0]  }
0x31: {  	[smem:$0x3FB9] =	sst s10  }
0x32: {  	s10 =	sld [smem:$0x3FB7];
	_ =	sdelay $0x3  }
0x33: {  	p0 =	seq.s32 s10, $0x1;
	s10 =	sld [smem:$0x3FB9];
	_ =	sdelay $0x3  }
0x34: {  	[smem:$0x3FB9] =	sst s10  }
0x35: {  	s10 =	sld [smem:$0x3FB8];
	_ =	sdelay $0x3  }
0x36: {  	p1 =	seq.s32 s10, $0x1;
	s10 =	sld [smem:$0x3FB9];
	_ =	sdelay $0x3  }
0x37: {  	[smem:$0x3FB9] =	sst s10  }
0x38: {  	s10 =	sld [smem:$0x3FBA]  }
0x39: {  	_ = 	snop;
	(pc) =	sbr.ind lr, $3  }
0x3a: {  	_ = 	snop  }
0x3b: {  	_ = 	snop  }
0x3c: {  	p2 =	seq.s32 s10, $0x1;
	s10 =	sld [smem:$0x3FB9]  }
0x3d: {  	_ =	shalt  }
0x3e: {  	_ =	shalt  }
0x3f: {  	_ =	shalt  }
0x40: {  	_ =	shalt  }
0x41: {  	_ =	shalt  }
0x42: {  	_ =	shalt  }
0x43: {  	_ =	shalt  }
0x44: {  	_ =	shalt  }
0x45: {  	_ =	shalt  }
0x46: {  	_ =	shalt  }
0x47: {  	_ =	shalt  }
0x48: {  	_ =	shalt  }
0x49: {  	_ =	shalt  }
0x4a: {  	_ =	shalt  }
0x4b: {  	_ =	shalt  }
0x4c: {  	_ =	shalt  }
0x4d: {  	_ =	shalt  }
0x4e: {  	_ =	shalt  }
0x4f: {  	_ =	shalt  }
0x50: {  	_ =	shalt  }
0x51: {  	_ =	shalt  }
0x52: {  	_ =	shalt  }
0x53: {  	_ =	shalt  }
0x54: {  	_ =	shalt  }
0x55: {  	_ =	shalt  }
0x56: {  	_ =	shalt  }
0x57: {  	_ =	shalt  }
0x58: {  	_ =	shalt  }
0x59: {  	_ =	shalt  }
0x5a: {  	_ =	shalt  }
0x5b: {  	_ =	shalt  }
0x5c: {  	_ =	shalt  }
0x5d: {  	_ =	shalt  }
0x5e: {  	_ =	shalt  }
0x5f: {  	_ =	shalt  }
0x60: {  	_ =	shalt  }
0x61: {  	_ =	shalt  }
0x62: {  	_ =	shalt  }
0x63: {  	_ =	shalt  }
0x64: {  	_ =	shalt  }
0x65: {  	_ =	shalt  }
0x66: {  	_ =	shalt  }
0x67: {  	_ =	shalt  }
0x68: {  	_ =	shalt  }
0x69: {  	_ =	shalt  }
0x6a: {  	_ =	shalt  }
0x6b: {  	_ =	shalt  }
0x6c: {  	_ =	shalt  }
0x6d: {  	_ =	shalt  }
0x6e: {  	_ =	shalt  }
0x6f: {  	_ =	shalt  }
0x70: {  	_ =	shalt  }
0x71: {  	_ =	shalt  }
0x72: {  	_ =	shalt  }
0x73: {  	_ =	shalt  }
0x74: {  	_ =	shalt  }
0x75: {  	_ =	shalt  }
0x76: {  	_ =	shalt  }
0x77: {  	_ =	shalt  }
0x78: {  	_ =	shalt  }
0x79: {  	_ =	shalt  }
0x7a: {  	_ =	shalt  }
0x7b: {  	_ =	shalt  }
0x7c: {  	_ =	shalt  }
0x7d: {  	_ =	shalt  }
0x7e: {  	_ =	shalt  }
0x7f: {  	_ =	shalt  }
0x80: {  	_ =	shalt  }
0x81: {  	_ =	shalt  }
0x82: {  	_ =	shalt  }
0x83: {  	_ =	shalt  }
0x84: {  	_ =	shalt  }
0x85: {  	_ =	shalt  }
0x86: {  	_ =	shalt  }
0x87: {  	_ =	shalt  }
.Lfunc_end0:
.L_simem_size_0:
called_computation_lowered:
.L_overlay_start_0:
0x88: {  	s0 =	sld [smem:$0x3FD9]  }
0x89: {  	s1 =	sld [smem:$0x3FFE];
	_ =	sdelay $0x3  }
0x8a: {  	s0 =	sadd.s32 s1, s0  }
0x8b: {  	[smem:$0x3FC5] =	sst s0  }
0x8c: {  	_ = 	snop  }
0x8d: {  	s0 =	sld [smem:$0x3FD0];
	(tm) =	ssettm $0x1  }
0x8e: {  	s16 =	sld [smem:$0x3FFB];
	_ =	sdelay $0x3  }
0x8f: {  	_ =	strace s16  }
0x90: {  	s1 =	sld [smem:$0x3FFC];
	_ =	sdelay $0x3  }
0x91: {  	_ =	strace s1  }
0x92: {  	s1 =	sld [smem:$0x3FFD];
	_ =	sdelay $0x3  }
0x93: {  	_ =	strace s1  }
0x94: {  	_ =	strace $0x8FFFFFFF  }
0x95: {  	s17 =	sld [smem:$0x3FDB];
	_ =	sdelay $0x1  }
0x96: {  	s2 =	simm.s32 $_scs_section_size  }
0x97: {  	s3 =	simm.s32 $_size__tile_overlayer_lowered;
	s4 =	simm.s32 $_tile_overlayer_lowered  }
0x98: {  	s20 =	simm.s32 $0x1BFF;
	s19 =	sshll.u32 s4, $0x1;
	s1 =	sadd.s32 s2, s17  }
0x99: {  	s5 =	simm.s32 $0x0;
	s18 =	sshll.u32 s3, $0x1;
	s3 =	sadd.s32 s19, s1  }
0x9a: {  	[timem:s5], [sflag:s20] =	dma.local [hbm:s3], s18  }
0x9b: {  	_ =	swait.ge [sflag:s20], s18  }
0x9c: {  	s2 =	ssub.s32 $0x0, s18;
	[sflag:s20] =	ssyncset.done $0x0  }
0x9d: {  	[sflag:s20] =	ssyncadd.s32 s2;
	_ =	sdelay $0x1  }
0x9e: {  	s21 =	simm.s32 $0x1B8B  }
0x9f: {  	_ =	swait.ge [sflag:s21], $0x1  }
0xa0: {  	[sflag:s21] =	ssyncset.done $0x0  }
0xa1: {  	s23 =	simm.s32 $0x1B8E;
	s22 =	sld [smem:$0x3FFE];
	[sflag:s21] =	ssyncadd.s32 $0xFFFFFFFF  }
0xa2: {  	s24 =	simm.s32 $execute0_lowered;
	[smem:$0x3FD2] =	sst s23  }
0xa3: {  	s3 =	sshll.u32 s24, $0x1;
	_ =	strace $0x80000046;
	[dreg:$0x1] =	wrdreg $0xFFFFFFFF  }
0xa4: {  	s25 =	simm.s32 $_size_execute0_lowered;
	s1 =	sadd.s32 s1, s3;
	[dreg:$0x0] =	wrdreg $0x0  }
0xa5: {  	s3 =	sshll.u32 s25, $0x1;
	[dreg:$0x2] =	wrdreg s1  }
0xa6: {  	[dreg:$0x3] =	wrdreg s3  }
0xa7: {  	[dreg:$0x4] =	wrdreg $0xC0  }
0xa8: {  	_ =	task [dreg:s5], $0x5FFFF  }
0xa9: {  	[dreg:$0x1] =	wrdreg $0xFFFFFFFF  }
0xaa: {  	[dreg:$0x0] =	wrdreg $0x60  }
0xab: {  	[dreg:$0x2] =	wrdreg s22  }
0xac: {  	[dreg:$0x3] =	wrdreg s0  }
0xad: {  	[dreg:$0x4] =	wrdreg $0x5800  }
0xae: {  	[dreg:$0x5] =	wrdreg $0x9  }
0xaf: {  	_ =	task.clear_ibuf [dreg:s5], $0x6FFFF;
	_ =	strace $0x90000046  }
0xb0: {  	s26 =	simm.s32 $0x9;
	_ =	strace $0x80000048  }
0xb1: {  	_ =	swait.ge [sflag:s26], $0x1  }
0xb2: {  	[sflag:s26] =	ssyncadd.s32 $0xFFFFFFFF  }
0xb3: {  	_ =	strace $0x90000048  }
0xb4: {  	_ =	sfence  }
0xb5: {  	s28 =	sld [smem:$0x0];
	_ =	sdelay $0x1  }
0xb6: {  	s29 =	srdreg.scid  }
0xb7: {  	s30 =	sshll.u32 s29, $0xD;
	s31 =	sshrl.u32 s29, $0x2  }
0xb8: {  	s2 =	sand.u32 $0x4000, s30;
	s1 =	sand.u32 $0x1, s29;
	s0 =	sadd.s32 s31, s28  }
0xb9: {  	s1 =	sor.u32 s2, s1;
	s0 =	sshll.u32 s0, $0x11  }
0xba: {  	s0 =	sor.u32 s0, s1  }
0xbb: {  	s0 =	sadd.s32 $0x8F2B, s0  }
0xbc: {  	[sflag:s0] =	ssyncadd.remote.s32 $0x1  }
0xbd: {  	_ =	sfence.sel $0xFFFF  }
0xbe: {  	[dreg:$0x0] =	wrdreg $0xFFFFFFFF;
	(pc) =	sbr.abs _section_cstart, $3  }
0xbf: {  	[dreg:$0x1] =	wrdreg $0xFFFFFFFF  }
0xc0: {  	_ =	task.clear_ibuf [dreg:s5], $0x2FFFF;
	_ =	strace $0x9FFFFFFF  }
0xc1: {  	(tm) =	ssettm $0x7FFFFFFF  }
tec
execute0_lowered:
.L_overlay_start_1:
0x0: {  	(tag) =	ssettag $0x1  }
0x1: {  	s2 =	rddreg [dreg:$0x0]  }
0x2: {  	s1 =	rddreg [dreg:$0x1]  }
0x3: {  	s4 =	rddreg [dreg:$0x2]  }
0x4: {  	s0 =	rddreg [dreg:$0x3]  }
0x5: {  	_ =	strace $0x80000047;
	v7 =	vlaneseq.u32;
	s3 =	sadd.s32 $0x800, s2;
	s2 =	simm.s32 $0x0  }
0x6: {  	v4 =	vand.u32 $0x7, v7;
	[tilespmem:s2], [sflag:$0x1] =	stream.linear.gather [hbm4b:s3+s2], $0x80, $0x38;
	[tilespmem:$0x590] =	vst v63  }
0x7: {  	s3 =	simm.s32 $0x1  }
0x8: {  	_ =	swait.ge [sflag:s3], $0x80  }
0x9: {  	[sflag:s3] =	ssyncset.done $0x0  }
0xa: {  	[sflag:s3] =	ssyncadd.s32 $0xFFFFFF80  }
0xb: {  	v0 =	vld.idx.msk [tilespmem:v4+s2+$0x0], $0xffff;
	_ =	sdelay $0x1  }
0xc: {  	v1 =	vld [tilespmem:$0x10];
	_ =	sdelay $0x2  }
0xd: {  	v0 =	vsub.f32 $0.0e+00, v0;
	_ =	sdelay $0x1  }
0xe: {  	v3 =	vsub.f32 $1.000000000e+00, v1;
	v0 =	vmul.f32 $1.442695020e+00, v0;
	_ =	sdelay $0x1  }
0xf: {  	(erf) = vpow2.f32 v0;
	v0 =	vcvt.s32.f32 v3;
	_ =	sdelay $0x1  }
0x10: {  	v0 =	vmul.f32 $2.000000030e-01, v0;
	_ =	sdelay $0x1  }
0x11: {  	v0 =	vadd.f32 $8.519800320e+08, v0;
	_ =	sdelay $0x1  }
0x12: {  	v0 =	vtrunc.f32 v0  }
0x13: {  	v0 =	vcvt.f32.s32 v0;
	_ =	sdelay $0x1  }
0x14: {  	v2 =	vpop (erf);
	v5 =	vmul.f32 v0, v0  }
0x15: {  	v2 =	vadd.f32 $1.000000000e+00, v2  }
0x16: {  	v5 =	vmul.f32 v5, v5  }
0x17: {  	(erf) = vrcp.f32 v2  }
0x18: {  	(erf) = vrcp.f32 v5;
	_ =	sdelay $0x7  }
0x19: {  	v6 =	vpop (erf)  }
0x1a: {  	v2 =	vpop (erf)  }
0x1b: {  	v2 =	vmul.f32 v2, v3;
	_ =	sdelay $0x1  }
0x1c: {  	v0 =	vmul.f32 $8.000000110e-01, v0;
	v5 =	vor.u32 $0x8, v7;
	v2 =	vmul.f32 $2.000000030e-01, v2;
	_ =	sdelay $0x1  }
0x1d: {  	v9 =	vadd.f32 v2, v0;
	_ =	sdelay $0x1  }
0x1e: {  	[tilespmem:$0x80] =	vst v6;
	v0 =	vmul.f32 v9, v9  }
0x1f: {  	v2 =	vld.idx.msk [tilespmem:v5+s2+$0x0], $0xffff  }
0x20: {  	v0 =	vmul.f32 v0, v0  }
0x21: {  	v8 =	vshrl.u32 v7, $0x3  }
0x22: {  	(erf) = vrcp.f32 v0  }
0x23: {  	vm0 =	vmmov $0xff  }
0x24: {  	v0 =	vnsel vm0, $0x0, v2;
	v2 =	vld [tilespmem:$0x20]  }
0x25: {  	s7 =	simm.s32 $0x80;
	[tilespmem:$0x100] =	vst v0  }
0x26: {  	v5 =	vld.idx.msk [tilespmem:v8+s7+$0x0], $0xffff  }
0x27: {  	v10 =	vld.idx.msk [tilespmem:v4+s7+$0x0], $0xffff;
	_ =	sdelay $0x1  }
0x28: {  	v12 =	vsub.f32 $1.000000000e+00, v2;
	_ =	sdelay $0x1  }
0x29: {  	v60 =	vcvt.s32.f32 v12;
	v11 =	vpop (erf)  }
0x2a: {  	v5 =	vmul.f32 v10, v5;
	v11 =	vmul.f32 v11, v3  }
0x2b: {  	v10 =	vmul.f32 $2.000000030e-01, v60  }
0x2c: {  	v9 =	vmul.f32 $8.000000110e-01, v9;
	v13 =	vsub.f32 $1.000000000e+00, v5;
	v11 =	vmul.f32 $2.000000030e-01, v11  }
0x2d: {  	v10 =	vadd.f32 $8.519800320e+08, v10  }
0x2e: {  	v61 =	vmul.f32 v13, v13;
	v9 =	vadd.f32 v11, v9  }
0x2f: {  	v10 =	vtrunc.f32 v10  }
0x30: {  	v11 =	vmul.f32 v61, v61;
	v14 =	vmul.f32 v9, v9  }
0x31: {  	v10 =	vcvt.f32.s32 v10  }
0x32: {  	v11 =	vmul.f32 v11, v13;
	v14 =	vmul.f32 v14, v14  }
0x33: {  	v5 =	vadd.f32 $9.999999930e-09, v5;
	v62 =	vmul.f32 v10, v10  }
0x34: {  	v11 =	vadd.f32 $9.999999930e-09, v11;
	(erf) = vrcp.f32 v14  }
0x35: {  	(erf) = vrcp.f32 v5;
	v5 =	vmul.f32 v62, v62  }
0x36: {  	(erf) = vrcp.f32 v11  }
0x37: {  	(erf) = vrcp.f32 v5;
	_ =	sdelay $0x5  }
0x38: {  	v5 =	vpop (erf)  }
0x39: {  	v63 =	vpop (erf)  }
0x3a: {  	v16 =	vpop (erf)  }
0x3b: {  	v17 =	vpop (erf)  }
0x3c: {  	v14 =	vmul.f32 v17, v12  }
0x3d: {  	v5 =	vmul.f32 v5, v3  }
0x3e: {  	v10 =	vmul.f32 $8.000000110e-01, v10;
	v14 =	vmul.f32 $2.000000030e-01, v14  }
0x3f: {  	v9 =	vmul.f32 $8.000000110e-01, v9;
	v5 =	vmul.f32 $2.000000030e-01, v5  }
0x40: {  	v10 =	vadd.f32 v14, v10  }
0x41: {  	v5 =	vadd.f32 v5, v9  }
0x42: {  	v3 =	vmul.f32 v16, v3;
	v18 =	vmul.f32 v10, v10  }
0x43: {  	v5 =	vsub.f32 $1.000000000e+00, v5  }
0x44: {  	v3 =	vsub.f32 $1.000000000e+00, v3;
	v9 =	vmul.f32 v18, v18  }
0x45: {  	v19 =	vor.u32 $0x2, v8;
	v5 =	vmul.f32 v5, v63  }
0x46: {  	v3 =	vmax.f32 v3, $0.0e+00;
	(erf) = vrcp.f32 v9  }
0x47: {  	v3 =	vmin.f32 v3, $1.000000000e+00;
	v5 =	vmax.f32 v5, $0.0e+00  }
0x48: {  	[tilespmem:$0x200] =	vst v3;
	v3 =	vld [tilespmem:$0x30];
	v5 =	vmin.f32 v5, $1.000000000e+00  }
0x49: {  	[tilespmem:$0x180] =	vst v5  }
0x4a: {  	v5 =	vld.idx.msk [tilespmem:v19+s7+$0x0], $0xffff  }
0x4b: {  	v20 =	vld.idx.msk [tilespmem:v4+s7+$0x0], $0xffff;
	_ =	sdelay $0x1  }
0x4c: {  	v22 =	vsub.f32 $1.000000000e+00, v3;
	_ =	sdelay $0x1  }
0x4d: {  	v23 =	vcvt.s32.f32 v22;
	v21 =	vpop (erf)  }
0x4e: {  	v5 =	vmul.f32 v20, v5;
	v11 =	vmul.f32 v21, v12  }
0x4f: {  	v9 =	vmul.f32 $2.000000030e-01, v23  }
0x50: {  	v10 =	vmul.f32 $8.000000110e-01, v10;
	v24 =	vsub.f32 $1.000000000e+00, v5;
	v11 =	vmul.f32 $2.000000030e-01, v11  }
0x51: {  	v9 =	vadd.f32 $8.519800320e+08, v9  }
0x52: {  	v25 =	vmul.f32 v24, v24;
	v10 =	vadd.f32 v11, v10  }
0x53: {  	v9 =	vtrunc.f32 v9  }
0x54: {  	v11 =	vmul.f32 v25, v25;
	v15 =	vmul.f32 v10, v10  }
0x55: {  	v9 =	vcvt.f32.s32 v9  }
0x56: {  	v11 =	vmul.f32 v11, v24;
	v15 =	vmul.f32 v15, v15  }
0x57: {  	v5 =	vadd.f32 $9.999999930e-09, v5;
	v26 =	vmul.f32 v9, v9  }
0x58: {  	v11 =	vadd.f32 $9.999999930e-09, v11;
	(erf) = vrcp.f32 v15  }
0x59: {  	(erf) = vrcp.f32 v5;
	v5 =	vmul.f32 v26, v26  }
0x5a: {  	(erf) = vrcp.f32 v11  }
0x5b: {  	(erf) = vrcp.f32 v5;
	_ =	sdelay $0x5  }
0x5c: {  	v5 =	vpop (erf)  }
0x5d: {  	v27 =	vpop (erf)  }
0x5e: {  	v28 =	vpop (erf)  }
0x5f: {  	v29 =	vpop (erf)  }
0x60: {  	v5 =	vmul.f32 v5, v12;
	v15 =	vmul.f32 v29, v22  }
0x61: {  	v9 =	vmul.f32 $8.000000110e-01, v9;
	v10 =	vmul.f32 $8.000000110e-01, v10  }
0x62: {  	v5 =	vmul.f32 $2.000000030e-01, v5;
	v15 =	vmul.f32 $2.000000030e-01, v15;
	_ =	sdelay $0x1  }
0x63: {  	v5 =	vadd.f32 v5, v10;
	v9 =	vadd.f32 v15, v9;
	_ =	sdelay $0x1  }
0x64: {  	v5 =	vsub.f32 $1.000000000e+00, v5;
	v30 =	vmul.f32 v9, v9  }
0x65: {  	v12 =	vmul.f32 v28, v12  }
0x66: {  	v5 =	vmul.f32 v5, v27;
	v10 =	vmul.f32 v30, v30  }
0x67: {  	v32 =	vor.u32 $0x4, v8;
	v31 =	vsub.f32 $1.000000000e+00, v12  }
0x68: {  	v5 =	vmax.f32 v5, $0.0e+00;
	(erf) = vrcp.f32 v10  }
0x69: {  	v33 =	vmax.f32 v31, $0.0e+00;
	v5 =	vmin.f32 v5, $1.000000000e+00  }
0x6a: {  	[tilespmem:$0x190] =	vst v5;
	v5 =	vld [tilespmem:$0x40];
	v10 =	vmin.f32 v33, $1.000000000e+00  }
0x6b: {  	[tilespmem:$0x210] =	vst v10  }
0x6c: {  	v10 =	vld.idx.msk [tilespmem:v32+s7+$0x0], $0xffff  }
0x6d: {  	v34 =	vld.idx.msk [tilespmem:v4+s7+$0x0], $0xffff;
	_ =	sdelay $0x1  }
0x6e: {  	v36 =	vsub.f32 $1.000000000e+00, v5;
	_ =	sdelay $0x1  }
0x6f: {  	v37 =	vcvt.s32.f32 v36;
	v35 =	vpop (erf)  }
0x70: {  	v10 =	vmul.f32 v34, v10;
	v12 =	vmul.f32 v35, v22  }
0x71: {  	v11 =	vmul.f32 $2.000000030e-01, v37  }
0x72: {  	v9 =	vmul.f32 $8.000000110e-01, v9;
	v38 =	vsub.f32 $1.000000000e+00, v10;
	v12 =	vmul.f32 $2.000000030e-01, v12  }
0x73: {  	v11 =	vadd.f32 $8.519800320e+08, v11  }
0x74: {  	v39 =	vmul.f32 v38, v38;
	v9 =	vadd.f32 v12, v9  }
0x75: {  	v11 =	vtrunc.f32 v11  }
0x76: {  	v12 =	vmul.f32 v39, v39;
	v16 =	vmul.f32 v9, v9  }
0x77: {  	v11 =	vcvt.f32.s32 v11  }
0x78: {  	v12 =	vmul.f32 v12, v38;
	v16 =	vmul.f32 v16, v16  }
0x79: {  	v10 =	vadd.f32 $9.999999930e-09, v10;
	v40 =	vmul.f32 v11, v11  }
0x7a: {  	v12 =	vadd.f32 $9.999999930e-09, v12;
	(erf) = vrcp.f32 v16  }
0x7b: {  	v41 =	vmul.f32 v40, v40;
	(erf) = vrcp.f32 v10  }
0x7c: {  	(erf) = vrcp.f32 v12  }
0x7d: {  	(erf) = vrcp.f32 v41;
	_ =	sdelay $0x5  }
0x7e: {  	v42 =	vpop (erf)  }
0x7f: {  	v43 =	vpop (erf)  }
0x80: {  	v44 =	vpop (erf)  }
0x81: {  	v45 =	vpop (erf)  }
0x82: {  	v16 =	vmul.f32 v45, v36;
	_ =	sdelay $0x1  }
0x83: {  	v11 =	vmul.f32 $8.000000110e-01, v11;
	v16 =	vmul.f32 $2.000000030e-01, v16;
	_ =	sdelay $0x1  }
0x84: {  	v10 =	vmul.f32 v42, v22;
	v11 =	vadd.f32 v16, v11  }
0x85: {  	v9 =	vmul.f32 $8.000000110e-01, v9  }
0x86: {  	v10 =	vmul.f32 $2.000000030e-01, v10;
	v16 =	vmul.f32 v11, v11;
	_ =	sdelay $0x1  }
0x87: {  	v9 =	vadd.f32 v10, v9;
	v16 =	vmul.f32 v16, v16  }
0x88: {  	v46 =	vmul.f32 v44, v22  }
0x89: {  	v9 =	vsub.f32 $1.000000000e+00, v9;
	(erf) = vrcp.f32 v16  }
0x8a: {  	v10 =	vsub.f32 $1.000000000e+00, v46  }
0x8b: {  	v8 =	vor.u32 $0x6, v8;
	v9 =	vmul.f32 v9, v43  }
0x8c: {  	v10 =	vmax.f32 v10, $0.0e+00  }
0x8d: {  	v10 =	vmin.f32 v10, $1.000000000e+00;
	v9 =	vmax.f32 v9, $0.0e+00  }
0x8e: {  	[tilespmem:$0x220] =	vst v10;
	v9 =	vmin.f32 v9, $1.000000000e+00  }
0x8f: {  	[tilespmem:$0x1A0] =	vst v9  }
0x90: {  	v8 =	vld.idx.msk [tilespmem:v8+s7+$0x0], $0xffff  }
0x91: {  	v10 =	vld.idx.msk [tilespmem:v4+s7+$0x0], $0xffff  }
0x92: {  	v47 =	vpop (erf)  }
0x93: {  	v9 =	vmul.f32 v47, v36;
	_ =	sdelay $0x1  }
0x94: {  	v11 =	vmul.f32 $8.000000110e-01, v11;
	v9 =	vmul.f32 $2.000000030e-01, v9  }
0x95: {  	v8 =	vmul.f32 v10, v8  }
0x96: {  	v9 =	vadd.f32 v9, v11  }
0x97: {  	v49 =	vsub.f32 $1.000000000e+00, v8  }
0x98: {  	v48 =	vmul.f32 v9, v9  }
0x99: {  	v50 =	vmul.f32 v49, v49  }
0x9a: {  	v10 =	vmul.f32 v48, v48  }
0x9b: {  	v51 =	vmul.f32 v50, v50  }
0x9c: {  	(erf) = vrcp.f32 v10  }
0x9d: {  	v10 =	vmul.f32 v51, v49  }
0x9e: {  	v8 =	vadd.f32 $9.999999930e-09, v8  }
0x9f: {  	v6 =	vsub.f32 $1.000000000e+00, v6;
	v10 =	vadd.f32 $9.999999930e-09, v10  }
0xa0: {  	(erf) = vrcp.f32 v8  }
0xa1: {  	v52 =	vmul.f32 v6, v6;
	(erf) = vrcp.f32 v10;
	_ =	sdelay $0x1  }
0xa2: {  	v53 =	vmul.f32 v52, v52;
	_ =	sdelay $0x1  }
0xa3: {  	v55 =	vmul.f32 v53, v53;
	v54 =	vpop (erf)  }
0xa4: {  	v10 =	vmul.f32 v54, v36  }
0xa5: {  	v56 =	vmul.f32 v55, v55  }
0xa6: {  	v9 =	vmul.f32 $8.000000110e-01, v9;
	v10 =	vmul.f32 $2.000000030e-01, v10  }
0xa7: {  	v57 =	vmul.f32 v56, v56;
	v58 =	vpop (erf)  }
0xa8: {  	v17 =	vpop (erf);
	v9 =	vadd.f32 v10, v9  }
0xa9: {  	s6 =	stileid.u32;
	v59 =	vmul.f32 v57, v57;
	v14 =	vmul.f32 v17, v36  }
0xaa: {  	s5 =	smin.u32 s6, $0x7;
	v9 =	vsub.f32 $1.000000000e+00, v9  }
0xab: {  	s8 =	sshll.u32 s5, $0x3;
	v61 =	vmul.f32 v52, v6;
	v18 =	vmul.f32 v59, v59;
	v62 =	vsub.f32 $1.000000000e+00, v14  }
0xac: {  	v60 =	vor.u32 s8, v4;
	v63 =	vmul.f32 v57, v56;
	v9 =	vmul.f32 v9, v58  }
0xad: {  	v18 =	vmul.f32 v18, v59;
	v8 =	vmul.f32 v55, v53;
	v11 =	vmax.f32 v62, $0.0e+00  }
0xae: {  	v11 =	vmin.f32 v11, $1.000000000e+00;
	v9 =	vmax.f32 v9, $0.0e+00  }
0xaf: {  	v19 =	vmul.f32 v18, v63;
	v8 =	vmul.f32 v8, v61;
	[tilespmem:$0x230] =	vst v11;
	v9 =	vmin.f32 v9, $1.000000000e+00  }
0xb0: {  	s9 =	simm.s32 $0x180;
	[tilespmem:$0x1B0] =	vst v9  }
0xb1: {  	v20 =	vmul.f32 v19, v8;
	v21 =	vld.idx.msk [tilespmem:v60+s9+$0x0], $0xffff;
	_ =	sdelay $0x1  }
0xb2: {  	v8 =	vmov s5;
	v6 =	vmul.f32 v20, v6  }
0xb3: {  	vm2 =	veq.s32 v8, v7  }
0xb4: {  	v6 =	vsel vm2, v20, v6  }
0xb5: {  	v6 =	vnsel vm0, $0x3F800000, v6;
	v22 =	vnsel vm0, $0xBF800000, v21  }
0xb6: {  	(xrf1) =	vsort.dscd.msk.f32 $0xffff, v22, v6;
	_ =	sdelay $0x3  }
0xb7: {  	v6 =	vimm.s32 $0xEDCBA987  }
0xb8: {  	v23 =	vimm.s32 $0x65432100;
	v6 =	vunpack.c.l.s4.s8 v6  }
0xb9: {  	v9 =	vunpack.c.l.s4.s8 v23  }
0xba: {  	v6 =	vunpack.c.0.s8.s32 v6  }
0xbb: {  	v9 =	vunpack.c.0.s8.s32 v9  }
0xbc: {  	v6 =	vand.u32 $0xF, v6  }
0xbd: {  	v9 =	vcombine.low v9, v6;
	_ =	sdelay $0x2  }
0xbe: {  	v6 =	vimm.s32 $0xDCBA9876  }
0xbf: {  	v25 =	vimm.s32 $0x54321000;
	v6 =	vunpack.c.l.s4.s8 v6;
	v11, v24, _ =	vpop (xrf1)  }
0xc0: {  	v12 =	vunpack.c.l.s4.s8 v25;
	s5 =	simm.s32 $0x280;
	[tilespmem:$0x280] =	vst v24  }
0xc1: {  	v6 =	vunpack.c.0.s8.s32 v6;
	v26 =	vld.idx.msk [tilespmem:v9+s5+$0x0], $0xffff  }
0xc2: {  	v12 =	vunpack.c.0.s8.s32 v12  }
0xc3: {  	v6 =	vand.u32 $0xF, v6  }
0xc4: {  	v12 =	vcombine.low v12, v6  }
0xc5: {  	vm1 =	veq.s32 v7, $0x0  }
0xc6: {  	v6 =	vsel vm1, $0x3F800000, v26  }
0xc7: {  	v27 =	vimm.s32 $0xBA987654;
	v6 =	vmul.f32 v6, v24  }
0xc8: {  	v28 =	vimm.s32 $0x32100000;
	v10 =	vunpack.c.l.s4.s8 v27  }
0xc9: {  	v13 =	vunpack.c.l.s4.s8 v28;
	[tilespmem:$0x280] =	vst v6  }
0xca: {  	v10 =	vunpack.c.0.s8.s32 v10;
	v29 =	vld.idx.msk [tilespmem:v12+s5+$0x0], $0xffff  }
0xcb: {  	v13 =	vunpack.c.0.s8.s32 v13  }
0xcc: {  	v10 =	vand.u32 $0xF, v10  }
0xcd: {  	v10 =	vcombine.low v13, v10  }
0xce: {  	vm3 =	vmmov $0x3  }
0xcf: {  	v30 =	vsel vm3, $0x3F800000, v29  }
0xd0: {  	v6 =	vmul.f32 v30, v6;
	_ =	sdelay $0x1  }
0xd1: {  	[tilespmem:$0x280] =	vst v6  }
0xd2: {  	v31 =	vld.idx.msk [tilespmem:v10+s5+$0x0], $0xffff;
	_ =	sdelay $0x3  }
0xd3: {  	vm4 =	vmmov $0xf  }
0xd4: {  	v13 =	vsel vm4, $0x3F800000, v31  }
0xd5: {  	v13 =	vmul.f32 v13, v6;
	_ =	sdelay $0x1  }
0xd6: {  	s26 =	simm.s32 $0x200;
	[tilespmem:$0x280] =	vst v13  }
0xd7: {  	v6 =	vld.idx.msk [tilespmem:v60+s26+$0x0], $0xffff;
	_ =	sdelay $0x4  }
0xd8: {  	v32 =	vsub.f32 $1.000000000e+00, v6;
	_ =	sdelay $0x1  }
0xd9: {  	v16 =	vld.idx.msk [tilespmem:v9+s5+$0x0], $0xffff;
	v14 =	vnsel vm0, $0x3F800000, v32  }
0xda: {  	v6 =	vld.idx.msk [tilespmem:v8+s7+$0x0], $0xffff;
	[tilespmem:$0x300] =	vst v14;
	v14 =	vsel vm2, $0x3F800000, v14  }
0xdb: {  	[tilespmem:$0x280] =	vst v14  }
0xdc: {  	v9 =	vld.idx.msk [tilespmem:v9+s5+$0x0], $0xffff;
	_ =	sdelay $0x4  }
0xdd: {  	v9 =	vsel vm1, $0x3F800000, v9  }
0xde: {  	v9 =	vmul.f32 v9, v14;
	_ =	sdelay $0x1  }
0xdf: {  	[tilespmem:$0x280] =	vst v9  }
0xe0: {  	v12 =	vld.idx.msk [tilespmem:v12+s5+$0x0], $0xffff;
	_ =	sdelay $0x4  }
0xe1: {  	v12 =	vsel vm3, $0x3F800000, v12  }
0xe2: {  	v12 =	vmul.f32 v12, v9;
	_ =	sdelay $0x1  }
0xe3: {  	[tilespmem:$0x280] =	vst v12  }
0xe4: {  	s10 =	sshll.u32 s6, $0x5;
	v33 =	vld.idx.msk [tilespmem:v10+s5+$0x0], $0xffff  }
0xe5: {  	v34 =	vmov s10;
	v35 =	vor.u32 s10, v7  }
0xe6: {  	v36 =	vshrl.u32 v35, $0x3;
	v10 =	vshrl.u32 v34, $0x6  }
0xe7: {  	v9 =	vand.u32 $0x5, v36;
	v37 =	vshll.u32 v10, $0x3  }
0xe8: {  	v38 =	vor.u32 v37, v9  }
0xe9: {  	v39 =	vshll.u32 v9, $0x3;
	v15 =	vor.u32 v4, v37;
	v14 =	vsel vm4, $0x3F800000, v33  }
0xea: {  	v18 =	vor.u32 v4, v39;
	v12 =	vmul.f32 v14, v12;
	_ =	sdelay $0x1  }
0xeb: {  	[tilespmem:$0x280] =	vst v12  }
0xec: {  	v12 =	vld.idx.msk [tilespmem:v38+s9+$0x0], $0xffff  }
0xed: {  	v19 =	vld.idx.msk [tilespmem:v15+s9+$0x0], $0xffff  }
0xee: {  	v20 =	vld.idx.msk [tilespmem:v18+s9+$0x0], $0xffff;
	_ =	sdelay $0x1  }
0xef: {  	v21 =	vld.idx.msk [tilespmem:v9+s7+$0x0], $0xffff  }
0xf0: {  	v22 =	vld.idx.msk [tilespmem:v10+s7+$0x0], $0xffff  }
0xf1: {  	v14 =	vld.idx.msk [tilespmem:v4+s7+$0x0], $0xffff;
	vm14 =	vle.f32 v12, v19  }
0xf2: {  	vm15 =	vlt.f32 v20, v19;
	vm8 =	vlt.f32 v19, v12;
	vm9 =	vlt.f32 v20, v12  }
0xf3: {  	vm7 =	vmor vm14, vm15;
	vm6 =	vmor vm8, vm9;
	vm5 =	vmxor vm14, vm15  }
0xf4: {  	vm3 =	vmand vm14, vm15;
	vm11 =	vmxor vm8, vm9;
	vm12 =	vmand vm8, vm9  }
0xf5: {  	v23 =	vsel vm7, v20, v19;
	v24 =	vsel vm5, v21, v22;
	v25 =	vsel vm3, v21, v22  }
0xf6: {  	v26 =	vsel vm5, v19, v20;
	v24 =	vsel vm11, v14, v24;
	v25 =	vsel vm12, v14, v25  }
0xf7: {  	v21 =	vsel vm7, v22, v21;
	v40 =	vmul.f32 v24, v25;
	v27 =	vsub.f32 $1.000000000e+00, v25  }
0xf8: {  	v19 =	vsel vm3, v19, v20;
	v23 =	vsel vm6, v23, v12;
	v21 =	vsel vm6, v21, v14  }
0xf9: {  	v26 =	vsel vm11, v12, v26;
	v41 =	vmul.f32 v40, v21;
	v27 =	vmul.f32 v27, v24  }
0xfa: {  	v12 =	vsel vm12, v12, v19;
	v42 =	vsub.f32 $1.000000000e+00, v24;
	v43 =	vsub.f32 v26, v23  }
0xfb: {  	v29 =	vsub.f32 v12, v26;
	v27 =	vmul.f32 v27, v21;
	v28 =	vmul.f32 v41, v23  }
0xfc: {  	v19 =	vmul.f32 v42, v25;
	v24 =	vmul.f32 v41, v43  }
0xfd: {  	s29 =	simm.s32 $0x100;
	v49 =	vld.idx.msk [tilespmem:v15+s26+$0x0], $0xffff;
	v20 =	vmul.f32 v41, v29;
	v12 =	vmul.f32 v27, v12;
	v44 =	vsub.f32 $1.000000000e+00, v28  }
0xfe: {  	v10 =	vld.idx.msk [tilespmem:v10+s29+$0x0], $0xffff;
	v45 =	vsub.f32 $1.000000000e+00, v21  }
0xff: {  	s10 =	sor.u32 $0x10, s10;
	v9 =	vld.idx.msk [tilespmem:v9+s29+$0x0], $0xffff;
	v19 =	vmul.f32 v19, v21;
	v20 =	vadd.f32 v12, v20;
	v46 =	vsub.f32 v44, v24  }
0x100: {  	v50 =	vmov s10;
	v51 =	vld.idx.msk [tilespmem:v18+s26+$0x0], $0xffff  }
0x101: {  	v53 =	vld.idx.msk [tilespmem:v38+s26+$0x0], $0xffff;
	v47 =	vmul.f32 v45, v40;
	v48 =	vmul.f32 v19, v26;
	v12 =	vsub.f32 v46, v20  }
0x102: {  	v52 =	vor.u32 s10, v7;
	v7 =	vshrl.u32 v50, $0x6  }
0x103: {  	v55 =	vshll.u32 v7, $0x3;
	v21 =	vmul.f32 v47, v23;
	v12 =	vsub.f32 v12, v48  }
0x104: {  	v57 =	vand.u32 $0x78, v55;
	v54 =	vshrl.u32 v52, $0x3;
	v9 =	vmul.f32 v9, v10  }
0x105: {  	v31 =	vsel vm5, v49, v51;
	v25 =	vsel vm3, v49, v51;
	v56 =	vsub.f32 v12, v21  }
0x106: {  	v58 =	vsel vm7, v51, v49;
	v31 =	vsel vm11, v53, v31;
	v23 =	vsel vm12, v53, v25  }
0x107: {  	v12 =	vand.u32 $0x7, v54;
	v20 =	vadd.f32 v56, v20;
	v59 =	vmul.f32 v56, v56  }
0x108: {  	v19 =	vsel vm6, v58, v53;
	v61 =	vadd.f32 v56, v48;
	v30 =	vadd.f32 v56, v21  }
0x109: {  	v60 =	vmul.f32 v20, v20;
	v27 =	vmul.f32 v59, v59;
	v22 =	vadd.f32 v20, v48  }
0x10a: {  	v15 =	vor.u32 v12, v57;
	v32 =	vmul.f32 v61, v61;
	v62 =	vmul.f32 v30, v30  }
0x10b: {  	v28 =	vmul.f32 v60, v60;
	v18 =	vmul.f32 v27, v56;
	v22 =	vadd.f32 v22, v24  }
0x10c: {  	v38 =	vshll.u32 v12, $0x3;
	v59 =	vld.idx.msk [tilespmem:v12+s7+$0x0], $0xffff;
	v44 =	vmul.f32 v32, v32;
	v27 =	vmul.f32 v62, v62  }
0x10d: {  	v12 =	vld.idx.msk [tilespmem:v12+s29+$0x0], $0xffff;
	v32 =	vsub.f32 $1.000000000e+00, v19;
	v63 =	vmul.f32 v28, v20;
	v45 =	vmul.f32 v22, v22  }
0x10e: {  	v60 =	vld.idx.msk [tilespmem:v7+s7+$0x0], $0xffff;
	v20 =	vadd.f32 v20, v21;
	v28 =	vmul.f32 v44, v61;
	v26 =	vmul.f32 v27, v30  }
0x10f: {  	v7 =	vld.idx.msk [tilespmem:v7+s29+$0x0], $0xffff;
	v21 =	vadd.f32 v61, v21;
	v48 =	vmul.f32 v18, v23;
	v34 =	vmul.f32 v18, v31  }
0x110: {  	v27 =	vsub.f32 $1.000000000e+00, v31;
	v42 =	vmul.f32 v18, v19;
	v33 =	vmul.f32 v20, v20  }
0x111: {  	v36 =	vsub.f32 $1.000000000e+00, v23;
	v46 =	vmul.f32 v45, v45;
	v29 =	vmul.f32 v21, v21  }
0x112: {  	v17 =	vor.u32 v4, v55;
	v51 =	vmul.f32 v48, v27;
	v37 =	vmul.f32 v34, v32  }
0x113: {  	v38 =	vor.u32 v4, v38;
	v40 =	vmul.f32 v48, v31;
	v42 =	vmul.f32 v42, v36  }
0x114: {  	v50 =	vsub.f32 v63, v18;
	v30 =	vmul.f32 v48, v19;
	v7 =	vmul.f32 v12, v7  }
0x115: {  	v35 =	vsub.f32 v28, v18;
	v47 =	vmul.f32 v33, v33;
	v22 =	vmul.f32 v46, v22  }
0x116: {  	v49 =	vmul.f32 v29, v29;
	v52 =	vmul.f32 v50, v27  }
0x117: {  	v54 =	vld.idx.msk [tilespmem:v17+s9+$0x0], $0xffff;
	v33 =	vmul.f32 v51, v32;
	v39 =	vmul.f32 v35, v32  }
0x118: {  	v57 =	vld.idx.msk [tilespmem:v38+s9+$0x0], $0xffff;
	v43 =	vsub.f32 v26, v18;
	v37 =	vmul.f32 v37, v36;
	v41 =	vmul.f32 v50, v31  }
0x119: {  	v40 =	vmul.f32 v40, v32;
	v44 =	vmul.f32 v35, v23  }
0x11a: {  	v45 =	vmul.f32 v43, v36;
	v55 =	vmul.f32 v42, v27  }
0x11b: {  	v58 =	vmul.f32 v30, v27;
	v29 =	vmul.f32 v50, v19  }
0x11c: {  	v16 =	vsel vm1, $0x3F800000, v16;
	v23 =	vmul.f32 v43, v23;
	v25 =	vmul.f32 v47, v20  }
0x11d: {  	vm15 =	vlt.f32 v57, v54;
	v21 =	vmul.f32 v49, v21;
	v20 =	vmul.f32 v52, v32  }
0x11e: {  	v46 =	vld.idx.msk [tilespmem:v15+s9+$0x0], $0xffff;
	v39 =	vmul.f32 v39, v36;
	v22 =	vsub.f32 v22, v63;
	v41 =	vmul.f32 v41, v32  }
0x11f: {  	v53 =	vmul.f32 v44, v32;
	v47 =	vsub.f32 v16, v13;
	v56 =	vmul.f32 v45, v27  }
0x120: {  	v29 =	vmul.f32 v29, v27;
	v22 =	vsub.f32 v22, v28;
	v40 =	vadd.f32 v41, v40  }
0x121: {  	v23 =	vmul.f32 v23, v27;
	v33 =	vadd.f32 v20, v33;
	v20 =	vadd.f32 v39, v37  }
0x122: {  	v41 =	vmul.f32 v18, v36;
	v16 =	vadd.f32 v56, v55;
	v24 =	vsub.f32 v25, v63  }
0x123: {  	v21 =	vsub.f32 v21, v28;
	v11 =	vmul.f32 v47, v11;
	vm2 =	vlt.f32 v54, v46  }
0x124: {  	vm13 =	vlt.f32 v57, v46;
	vm14 =	vle.f32 v46, v54;
	v22 =	vadd.f32 v22, v18  }
0x125: {  	v40 =	vadd.f32 v40, v53;
	vm9 =	vmor vm2, vm13;
	vm10 =	vmor vm14, vm15  }
0x126: {  	vm11 =	vmxor vm14, vm15;
	vm12 =	vmxor vm2, vm13;
	vm3 =	vmand vm14, vm15  }
0x127: {  	vm2 =	vmand vm2, vm13;
	v24 =	vsub.f32 v24, v26;
	v41 =	vmul.f32 v41, v27  }
0x128: {  	v21 =	vsub.f32 v21, v26;
	v61 =	vsel vm10, v57, v54;
	v62 =	vsel vm11, v54, v57  }
0x129: {  	v63 =	vsel vm11, v59, v60;
	v48 =	vsel vm3, v59, v60;
	v22 =	vmul.f32 v22, v32  }
0x12a: {  	v42 =	vsel vm3, v54, v57;
	v25 =	vsel vm10, v60, v59;
	v57 =	vimm.s32 $0x7  }
0x12b: {  	v49 =	vsel vm2, v14, v48;
	v13 =	vadd.f32 v22, v40;
	v40 =	vsel vm12, v14, v63  }
0x12c: {  	v37 =	vsel vm9, v61, v46;
	v45 =	vsub.f32 $1.000000000e+00, v49;
	v50 =	vmul.f32 v40, v49  }
0x12d: {  	v39 =	vsel vm12, v46, v62;
	v42 =	vsel vm2, v46, v42;
	v14 =	vsel vm9, v25, v14  }
0x12e: {  	v51 =	vsub.f32 $1.000000000e+00, v40;
	v40 =	vmul.f32 v45, v40;
	v52 =	vmul.f32 v50, v14  }
0x12f: {  	v62 =	vmul.f32 v34, v19;
	v19 =	vmul.f32 v35, v19;
	v53 =	vsub.f32 v39, v37  }
0x130: {  	v54 =	vsub.f32 v42, v39;
	v40 =	vmul.f32 v40, v14;
	v56 =	vmul.f32 v52, v37  }
0x131: {  	v24 =	vadd.f32 v24, v18;
	v25 =	vmul.f32 v51, v49;
	v45 =	vmul.f32 v52, v53  }
0x132: {  	v55 =	vmul.f32 v52, v54;
	v40 =	vmul.f32 v40, v42;
	v44 =	vsub.f32 $1.000000000e+00, v56  }
0x133: {  	v32 =	vmul.f32 v41, v32;
	v22 =	vadd.f32 v29, v58;
	v58 =	vsub.f32 $1.000000000e+00, v14  }
0x134: {  	v4 =	vld.idx.msk [tilespmem:v4+s29+$0x0], $0xffff;
	v14 =	vmul.f32 v25, v14;
	v59 =	vadd.f32 v40, v55;
	v60 =	vsub.f32 v44, v45  }
0x135: {  	v17 =	vld.idx.msk [tilespmem:v17+s26+$0x0], $0xffff;
	v18 =	vadd.f32 v21, v18;
	v24 =	vmul.f32 v24, v27;
	v27 =	vmul.f32 v62, v36  }
0x136: {  	v61 =	vmul.f32 v58, v50;
	v63 =	vmul.f32 v14, v39;
	v40 =	vld.idx.msk [tilespmem:v57+s5+$0x0], $0xffff;
	v35 =	vsub.f32 v60, v59  }
0x137: {  	v19 =	vmul.f32 v19, v36;
	v47 =	vsub.f32 $1.000000000e+00, v32;
	v39 =	vmul.f32 v43, v31;
	v43 =	vld.idx.msk [tilespmem:v38+s26+$0x0], $0xffff  }
0x138: {  	v22 =	vadd.f32 v22, v23;
	v23 =	vmul.f32 v61, v37;
	v42 =	vsub.f32 v35, v63  }
0x139: {  	v9 =	vmul.f32 v4, v9;
	v4 =	vmul.f32 v7, v4;
	v19 =	vadd.f32 v19, v27  }
0x13a: {  	v18 =	vmul.f32 v18, v36;
	v21 =	vsub.f32 v47, v33;
	v46 =	vsub.f32 v42, v23  }
0x13b: {  	v14 =	vadd.f32 v24, v22;
	v44 =	vmul.f32 v39, v36;
	v27 =	vmul.f32 v40, v40  }
0x13c: {  	v50 =	vsel vm10, v43, v17;
	v48 =	vadd.f32 v46, v59;
	v49 =	vmul.f32 v46, v46  }
0x13d: {  	v53 =	vsel vm11, v17, v43;
	v31 =	vadd.f32 v46, v63;
	v52 =	vadd.f32 v46, v23  }
0x13e: {  	v15 =	vld.idx.msk [tilespmem:v15+s26+$0x0], $0xffff;
	v51 =	vmul.f32 v48, v48;
	v25 =	vmul.f32 v49, v49;
	v30 =	vadd.f32 v48, v63  }
0x13f: {  	v54 =	vmul.f32 v31, v31;
	v55 =	vmul.f32 v52, v52;
	v24 =	vadd.f32 v48, v23  }
0x140: {  	v23 =	vadd.f32 v31, v23;
	v29 =	vmul.f32 v51, v51;
	v25 =	vmul.f32 v25, v46  }
0x141: {  	v30 =	vadd.f32 v30, v45;
	v34 =	vmul.f32 v54, v54;
	v26 =	vmul.f32 v55, v55  }
0x142: {  	v17 =	vsel vm3, v17, v43;
	v57 =	vmul.f32 v24, v24;
	v60 =	vmul.f32 v23, v23  }
0x143: {  	v33 =	vsel vm12, v15, v53;
	v29 =	vmul.f32 v29, v48;
	v56 =	vmul.f32 v30, v30  }
0x144: {  	v17 =	vsel vm2, v15, v17;
	v34 =	vmul.f32 v34, v31;
	v22 =	vmul.f32 v26, v52  }
0x145: {  	v15 =	vsel vm9, v50, v15;
	v59 =	vmul.f32 v57, v57;
	v35 =	vmul.f32 v25, v17  }
0x146: {  	v32 =	vsub.f32 $1.000000000e+00, v15;
	v61 =	vmul.f32 v60, v60;
	v37 =	vmul.f32 v25, v33  }
0x147: {  	v31 =	vsub.f32 $1.000000000e+00, v17;
	v50 =	vmul.f32 v25, v15;
	v58 =	vmul.f32 v56, v56  }
0x148: {  	v24 =	vmul.f32 v59, v24;
	v23 =	vmul.f32 v61, v23  }
0x149: {  	v63 =	vsub.f32 v29, v25;
	v45 =	vmul.f32 v25, v31;
	v48 =	vmul.f32 v37, v32  }
0x14a: {  	v46 =	vsub.f32 v34, v25;
	v53 =	vmul.f32 v50, v31;
	v55 =	vmul.f32 v35, v33  }
0x14b: {  	v54 =	vsub.f32 v22, v25;
	v38 =	vmul.f32 v37, v15;
	v26 =	vmul.f32 v58, v30  }
0x14c: {  	v11 =	vnsel vm0, $0x0, v11;
	v49 =	vmul.f32 v46, v32;
	v52 =	vmul.f32 v48, v31  }
0x14d: {  	v20 =	vsub.f32 v21, v20;
	v56 =	vmul.f32 v63, v33;
	v57 =	vmul.f32 v54, v31  }
0x14e: {  	v30 =	vsub.f32 $1.000000000e+00, v33;
	v58 =	vmul.f32 v55, v32;
	v61 =	vmul.f32 v46, v17  }
0x14f: {  	v19 =	vadd.f32 v19, v44;
	v28 =	vmul.f32 v63, v15;
	v17 =	vmul.f32 v54, v17  }
0x150: {  	v16 =	vsub.f32 v20, v16;
	v33 =	vmul.f32 v54, v33;
	v62 =	vmul.f32 v35, v30  }
0x151: {  	v18 =	vadd.f32 v18, v19;
	v47 =	vmul.f32 v63, v30;
	v19 =	vmul.f32 v49, v31  }
0x152: {  	v16 =	vsub.f32 v16, v13;
	v40 =	vmul.f32 v53, v30;
	v59 =	vmul.f32 v56, v32  }
0x153: {  	v24 =	vsub.f32 v24, v29;
	v60 =	vmul.f32 v57, v30;
	v35 =	vmul.f32 v35, v15  }
0x154: {  	v23 =	vsub.f32 v23, v34;
	v63 =	vmul.f32 v61, v32;
	v36 =	vmul.f32 v62, v32  }
0x155: {  	v26 =	vsub.f32 v26, v29;
	v51 =	vmul.f32 v47, v32;
	v62 =	vmul.f32 v45, v30  }
0x156: {  	v28 =	vmul.f32 v28, v30;
	v15 =	vmul.f32 v46, v15;
	v24 =	vsub.f32 v24, v22  }
0x157: {  	v22 =	vsub.f32 v23, v22;
	v20 =	vadd.f32 v51, v36;
	v36 =	vmul.f32 v62, v32  }
0x158: {  	v17 =	vmul.f32 v17, v30;
	v19 =	vadd.f32 v19, v52;
	v26 =	vsub.f32 v26, v34  }
0x159: {  	s28 =	simm.s32 $0x300;
	v29 =	vmul.f32 v38, v31;
	v21 =	vadd.f32 v59, v58;
	v43 =	vsub.f32 $1.000000000e+00, v36  }
0x15a: {  	v8 =	vld.idx.msk [tilespmem:v8+s28+$0x0], $0xffff;
	v40 =	vadd.f32 v60, v40;
	v35 =	vmul.f32 v35, v30;
	v24 =	vadd.f32 v24, v25  }
0x15b: {  	v46 =	vmul.f32 v33, v31;
	v26 =	vadd.f32 v26, v25;
	v20 =	vsub.f32 v43, v20  }
0x15c: {  	v15 =	vmul.f32 v15, v31;
	v22 =	vadd.f32 v22, v25;
	v28 =	vadd.f32 v28, v35  }
0x15d: {  	v21 =	vadd.f32 v21, v63;
	v26 =	vmul.f32 v26, v32;
	v19 =	vsub.f32 v20, v19  }
0x15e: {  	(xrf2) =	vadd.scan.msk.f32 $0xffff, v11;
	v45 =	vmul.f32 v24, v30;
	v15 =	vadd.f32 v15, v29;
	v17 =	vadd.f32 v28, v17  }
0x15f: {  	v42 =	vmul.f32 v8, v8;
	v21 =	vadd.f32 v26, v21;
	v19 =	vsub.f32 v19, v40  }
0x160: {  	v48 =	vmul.f32 v22, v31;
	v15 =	vadd.f32 v15, v46;
	v17 =	vadd.f32 v45, v17  }
0x161: {  	v44 =	vmul.f32 v42, v42;
	v49 =	vadd.f32 v13, v14;
	v50 =	vsub.f32 v19, v21  }
0x162: {  	v27 =	vmul.f32 v27, v27;
	v51 =	vadd.f32 v48, v15;
	v52 =	vadd.f32 v21, v17  }
0x163: {  	v14 =	vsub.f32 v16, v14;
	v47 =	vmul.f32 v44, v44;
	v13 =	vsub.f32 v50, v17  }
0x164: {  	v27 =	vmul.f32 v27, v27;
	v10 =	vadd.f32 v49, v18;
	v7 =	vadd.f32 v52, v51  }
0x165: {  	v14 =	vsub.f32 v14, v18;
	v53 =	vmul.f32 v47, v47;
	v12 =	vsub.f32 v13, v51  }
0x166: {  	v10 =	vmul.f32 v10, v9;
	v7 =	vmul.f32 v7, v4  }
0x167: {  	v9 =	vmul.f32 v14, v9;
	v4 =	vmul.f32 v12, v4  }
0x168: {  	v55 =	vmul.f32 v27, v27;
	v54, _, _ =	vpop (xrf2);
	v56 =	vmul.f32 v53, v53;
	v7 =	vadd.f32 v7, v10  }
0x169: {  	v57 =	vbroadcast v54, $0xF;
	v4 =	vadd.f32 v4, v9  }
0x16a: {  	v58 =	vmul.f32 v56, v56;
	(xrf2) =	vadd.scan.msk.f32 $0xffff, v7;
	v7 =	vmul.f32 v55, v55  }
0x16b: {  	(xrf2) =	vadd.scan.msk.f32 $0xffff, v4;
	v4 =	vmul.f32 v57, v6  }
0x16c: {  	v6 =	vmul.f32 v7, v7;
	v7 =	vmul.f32 v58, v58  }
0x16d: {  	v8 =	vmul.f32 v42, v8;
	v59 =	vmul.f32 v47, v44  }
0x16e: {  	v60 =	vmul.f32 v56, v53;
	v7 =	vmul.f32 v7, v58;
	_ =	sdelay $0x1  }
0x16f: {  	v8 =	vmul.f32 v59, v8;
	v7 =	vmul.f32 v7, v60  }
0x170: {  	v4 =	vsub.f32 $1.000000000e+00, v4  }
0x171: {  	v6 =	vmul.f32 v6, v6;
	v7 =	vmul.f32 v7, v8  }
0x172: {  	v61 =	vmul.f32 v4, v4  }
0x173: {  	v6 =	vmul.f32 v6, v6  }
0x174: {  	v63, _, _ =	vpop (xrf2);
	v62 =	vmul.f32 v61, v61  }
0x175: {  	vm0 =	vmxor vm0, vm0;
	v8 =	vbroadcast v63, $0xF;
	v6 =	vmul.f32 v7, v6;
	v7, _, _ =	vpop (xrf2)  }
0x176: {  	p0 =	slt.s32 s6, $0x8;
	vm13 =	vcmask $0xB08;
	v4 =	vmul.f32 v62, v4;
	v7 =	vbroadcast v7, $0xF  }
0x177: {  	vm14 =	vmmov $0x1;
	vm15 =	vcmask $0x704;
	vm0 =	vmneg @p0 vm0  }
0x178: {  	v4 =	vmul.f32 v6, v4;
	v6 =	vnsel vm14, $0x0, v8;
	v7 =	vnsel vm15, $0x0, v7  }
0x179: {  	vm0 =	vmand vm0, vm13;
	v6 =	vadd.f32 v7, v6  }
0x17a: {  	v4 =	vnsel vm0, $0x0, v4  }
0x17b: {  	v4 =	vadd.f32 v6, v4  }
0x17c: {  	s30 =	sshll.u32 s6, $0x4  }
0x17d: {  	s31 =	simm.s32 $0x380;
	s7 =	sadd.s32 s30, s4;
	[tilespmem:$0x380] =	vst v4  }
0x17e: {  	[spmem:s7] =	stream.linear.scatter [tilespmem:s31], [sflag:$0x1], $0x10, $0x38;
	[tilespmem:$0x590] =	vst v63  }
0x17f: {  	_ =	swait.ge [sflag:s3], $0x10  }
0x180: {  	[sflag:s3] =	ssyncset.done $0x0  }
0x181: {  	[sflag:s3] =	ssyncadd.s32 $0xFFFFFFF0  }
0x182: {  	p0 =	sne.s32 s6, $0x0;
	[bflag:$0x0] =	sbarrier.arrive $0xFFFF  }
0x183: {  	_ =	sfence.sel @p0 $0x180000  }
0x184: {  	[bflag:$0x0] =	sbarrier.arrive @p0 $0xFFFF  }
0x185: {  	_ =	strace @p0 $0x90000047  }
0x186: {  	[bflag:$0x2] =	sbarrier.arrive @p0 $0xFFFF  }
0x187: {  	_ =	shalt @p0  }
.LBB2_1:
0x188: {  	(xrf2) =	vadd.scan.msk.f32 $0xffff, v1;
	vm0 =	vcmask $0x2724  }
0x189: {  	vm1 =	vcmask $0x300;
	vm9 =	vcmask $0x2B0C;
	vm2 =	vcmask $0x730;
	(xrf2) =	vadd.scan.msk.f32 $0xffff, v2  }
0x18a: {  	vm11 =	vcmask $0x3314;
	vm12 =	vcmask $0xF38;
	vm0 =	vmor vm1, vm0;
	(xrf2) =	vadd.scan.msk.f32 $0xffff, v3  }
0x18b: {  	vm13 =	vcmask $0x3B1C;
	vm10 =	vmor vm2, vm9;
	v34 =	vnsel vm0, $0x0, v1;
	(xrf2) =	vadd.scan.msk.f32 $0xffff, v5  }
0x18c: {  	vm14 =	vcmask $0x1700;
	v35 =	vsel vm10, $0x0, v2;
	vm0 =	vmor vm12, vm11;
	(xrf2) =	vadd.scan.msk.f32 $0xffff, v34  }
0x18d: {  	vm15 =	vmor vm14, vm13;
	v36 =	vsel vm0, $0x0, v3;
	(xrf2) =	vadd.scan.msk.f32 $0xffff, v35  }
0x18e: {  	v37 =	vsel vm15, $0x0, v5;
	(xrf2) =	vadd.scan.msk.f32 $0xffff, v36  }
0x18f: {  	(xrf2) =	vadd.scan.msk.f32 $0xffff, v37;
	_ =	sdelay $0x2  }
0x190: {  	v38, _, _ =	vpop (xrf2)  }
0x191: {  	v39, _, _ =	vpop (xrf2)  }
0x192: {  	v40, _, _ =	vpop (xrf2)  }
0x193: {  	v4, _, _ =	vpop (xrf2)  }
0x194: {  	v41, _, _ =	vpop (xrf2)  }
0x195: {  	v6, _, _ =	vpop (xrf2)  }
0x196: {  	s6 =	simm.s32 $0x400;
	v7, _, _ =	vpop (xrf2)  }
0x197: {  	[tilespmem:s6], [sflag:$0x1] =	stream.linear.gather [spmem:s4], $0x100, $0x38;
	v8, _, _ =	vpop (xrf2);
	[tilespmem:$0x590] =	vst v63  }
0x198: {  	_ =	swait.ge [sflag:s3], $0x100  }
0x199: {  	[sflag:s3] =	ssyncset.done $0x0  }
0x19a: {  	[sflag:s3] =	ssyncadd.s32 $0xFFFFFF00  }
0x19b: {  	v9 =	vld [tilespmem:$0x400]  }
0x19c: {  	v10 =	vld [tilespmem:$0x410];
	_ =	sdelay $0x1  }
0x19d: {  	v11 =	vld [tilespmem:$0x420];
	_ =	sdelay $0x1  }
0x19e: {  	v12 =	vld [tilespmem:$0x430]  }
0x19f: {  	v9 =	vadd.f32 v10, v9  }
0x1a0: {  	v42 =	vld [tilespmem:$0x440]  }
0x1a1: {  	v9 =	vadd.f32 v11, v9  }
0x1a2: {  	v43 =	vld [tilespmem:$0x450]  }
0x1a3: {  	v9 =	vadd.f32 v12, v9  }
0x1a4: {  	v44 =	vld [tilespmem:$0x460]  }
0x1a5: {  	v9 =	vadd.f32 v42, v9  }
0x1a6: {  	v45 =	vld [tilespmem:$0x470]  }
0x1a7: {  	v9 =	vadd.f32 v43, v9  }
0x1a8: {  	v46 =	vld [tilespmem:$0x480]  }
0x1a9: {  	v9 =	vadd.f32 v44, v9  }
0x1aa: {  	v47 =	vld [tilespmem:$0x490]  }
0x1ab: {  	v9 =	vadd.f32 v45, v9  }
0x1ac: {  	v48 =	vld [tilespmem:$0x4A0]  }
0x1ad: {  	v9 =	vadd.f32 v46, v9  }
0x1ae: {  	v49 =	vld [tilespmem:$0x4B0]  }
0x1af: {  	v9 =	vadd.f32 v47, v9  }
0x1b0: {  	v50 =	vld [tilespmem:$0x4C0]  }
0x1b1: {  	v9 =	vadd.f32 v48, v9  }
0x1b2: {  	v51 =	vld [tilespmem:$0x4D0]  }
0x1b3: {  	v9 =	vadd.f32 v49, v9  }
0x1b4: {  	v52 =	vld [tilespmem:$0x4E0]  }
0x1b5: {  	v9 =	vadd.f32 v50, v9  }
0x1b6: {  	v1 =	vadd.f32 $0.0e+00, v38;
	v53 =	vld [tilespmem:$0x4F0]  }
0x1b7: {  	v5 =	vadd.f32 $0.0e+00, v41;
	(xrf2) =	vadd.scan.msk.f32 $0xffff, v0;
	v9 =	vadd.f32 v51, v9  }
0x1b8: {  	v1 =	vadd.f32 v39, v1  }
0x1b9: {  	v56 =	vimm.s32 $0x2;
	v54 =	vadd.f32 v6, v5;
	v55 =	vadd.f32 v52, v9  }
0x1ba: {  	v1 =	vadd.f32 v40, v1  }
0x1bb: {  	v57 =	vimm.s32 $0x1;
	v2 =	vadd.f32 v7, v54;
	v0 =	vadd.f32 v53, v55;
	_ =	sdelay $0x1  }
0x1bc: {  	v1 =	vadd.f32 v4, v1;
	v2 =	vadd.f32 v8, v2;
	[tilespmem:$0x280] =	vst v0  }
0x1bd: {  	v60 =	vld.idx.msk [tilespmem:v56+s5+$0x0], $0xffff  }
0x1be: {  	v58 =	vmul.f32 $6.553600000e+04, v1;
	v59 =	vmul.f32 $-2.560000000e+02, v2;
	v61 =	vld.msk [tilespmem:s5+$0x0], $0xffff  }
0x1bf: {  	v62 =	vld.idx.msk [tilespmem:v57+s5+$0x0], $0xffff  }
0x1c0: {  	v63, _, _ =	vpop (xrf2);
	v0 =	vadd.f32 v59, v58  }
0x1c1: {  	v3 =	vbroadcast v63, $0xF  }
0x1c2: {  	v0 =	vmul.f32 $5.000000000e-01, v0;
	v2 =	vmul.f32 $-2.560000000e+02, v60;
	_ =	sdelay $0x1  }
0x1c3: {  	v0 =	vbroadcast v0, $0xF;
	v1 =	vadd.f32 v62, v61;
	v2 =	vadd.f32 v2, v3;
	_ =	sdelay $0x1  }
0x1c4: {  	v1 =	vmul.f32 $1.666666720e-01, v1;
	v0 =	vadd.f32 v2, v0;
	_ =	sdelay $0x1  }
0x1c5: {  	v0 =	vadd.f32 v0, v1;
	_ =	sdelay $0x1  }
0x1c6: {  	s31 =	simm.s32 $0x500;
	[tilespmem:$0x500] =	vst v0  }
0x1c7: {  	[hbm4b:s1+s2] =	stream.linear.scatter [tilespmem:s31], [sflag:$0x1], $0x80, $0x38;
	[tilespmem:$0x590] =	vst v63  }
0x1c8: {  	_ =	swait.ge [sflag:s3], $0x80  }
0x1c9: {  	[sflag:s3] =	ssyncset.done $0x0  }
0x1ca: {  	[sflag:s3] =	ssyncadd.s32 $0xFFFFFF80  }
0x1cb: {  	_ =	sfence.sel $0x180000  }
0x1cc: {  	[bflag:$0x0] =	sbarrier.arrive $0xFFFF  }
0x1cd: {  	_ =	strace $0x90000047  }
0x1ce: {  	s0 =	sadd.s32 $0x100000, s0;
	[bflag:$0x2] =	sbarrier.arrive $0xFFFF  }
0x1cf: {  	[sflag:s0] =	ssyncadd.tile.s32 $0x1;
	_ =	shalt  }
.Lfunc_end2:
_tile_overlayer_lowered:
.L_overlay_start_2:
0x1d0: {  	(tag) =	ssettag $0x2  }
0x1d1: {  	s0 =	rddreg [dreg:$0x0];
	s2 =	stileid.u32  }
0x1d2: {  	s1 =	rddreg [dreg:$0x1];
	p0 =	sne.s32 s2, $0x0  }
0x1d3: {  	s3 =	rddreg [dreg:$0x2];
	[bflag:$0x3] =	sbarrier.arrive $0xFFFF;
	s2 =	simm.s32 @!p0 $0x1C01  }
0x1d4: {  	[timem:s3], [sflag:s2] =	dma.local @!p0 [hbm:s0], s1  }
0x1d5: {  	s0 =	simm.s32 @!p0 $0x1  }
0x1d6: {  	_ =	swait.ge @!p0 [sflag:s0], s1  }
0x1d7: {  	s1 =	ssub.s32 @!p0 $0x0, s1;
	[sflag:s0] =	ssyncset.done @!p0 $0x0  }
0x1d8: {  	[sflag:s0] =	ssyncadd.s32 @!p0 s1  }
0x1d9: {  	[bflag:$0x3] =	sbarrier.arrive $0xFFFF  }
0x1da: {  	_ =	shalt  }

</sc_bundles>
